<compile_context>
chip_gen: v7x
topology: tpu7x:2x2x1
jax: 0.10.2.dev20260603
libtpu: 0.0.44.dev20260713+nightly
codegen_flags: <defaults>
</compile_context>

<pallas_src>
import functools

import jax
import jax.numpy as jnp
from jax import lax
from jax.experimental import pallas as pl
from jax.experimental.pallas import tpu as pltpu
from jax.experimental.pallas import tpu_sc as plsc

N = 10000
NP = 10240
E = 320000
D = 128
NC = 2
NS = 16
NW = NC * NS
EPT = E // NW
B = 128
JT = NP // B
EB = 80
ROWS_PT = NP // NS

_MESH = plsc.VectorSubcoreMesh(core_axis_name="c", subcore_axis_name="s")


def _sc_degree(dstb, ones_b, zeros_rows):

  @functools.partial(
      pl.kernel,
      out_type=jax.ShapeDtypeStruct((NC, NP, D), jnp.float32),
      mesh=_MESH,
      scratch_types=[
          pltpu.VMEM((JT, B), jnp.int32),
          pltpu.VMEM((B, D), jnp.float32),
          pltpu.VMEM_SHARED((NP, D), jnp.float32),
      ],
  )
  def k(dst_hbm, ones_hbm, zeros_hbm, out_hbm, didx, ones_v, acc):
    cid = lax.axis_index("c")
    sid = lax.axis_index("s")
    wid = cid * NS + sid
    pltpu.sync_copy(zeros_hbm, acc.at[pl.ds(sid * ROWS_PT, ROWS_PT)])
    pltpu.sync_copy(ones_hbm, ones_v)
    pltpu.sync_copy(dst_hbm.at[wid], didx)
    plsc.subcore_barrier()

    @pl.loop(0, JT)
    def _(j):
      pltpu.sync_copy(ones_v, acc.at[didx.at[j]], add=True)

    plsc.subcore_barrier()
    pltpu.sync_copy(
        acc.at[pl.ds(sid * ROWS_PT, ROWS_PT)],
        out_hbm.at[cid, pl.ds(sid * ROWS_PT, ROWS_PT)],
    )

  return k(dstb, ones_b, zeros_rows)


def _sc_aggregate(hp, src, dst, zeros_rows):

  @functools.partial(
      pl.kernel,
      out_type=jax.ShapeDtypeStruct((NC, NP, D), jnp.float32),
      mesh=_MESH,
      scratch_types=[
          pltpu.VMEM((EPT,), jnp.int32),
          pltpu.VMEM((EPT,), jnp.int32),
          pltpu.VMEM((EB, D), jnp.float32),
          pltpu.VMEM_SHARED((NP, D), jnp.float32),
      ],
  )
  def k(h_hbm, src_hbm, dst_hbm, zeros_hbm, out_hbm, sidx, didx, rows, acc):
    cid = lax.axis_index("c")
    sid = lax.axis_index("s")
    wid = cid * NS + sid
    pltpu.sync_copy(zeros_hbm, acc.at[pl.ds(sid * ROWS_PT, ROWS_PT)])
    pltpu.sync_copy(src_hbm.at[pl.ds(wid * EPT, EPT)], sidx)
    pltpu.sync_copy(dst_hbm.at[pl.ds(wid * EPT, EPT)], didx)
    plsc.subcore_barrier()

    @pl.loop(0, EPT, step=EB)
    def _(e):
      pltpu.sync_copy(h_hbm.at[sidx.at[pl.ds(e, EB)]], rows)
      pltpu.sync_copy(rows, acc.at[didx.at[pl.ds(e, EB)]], add=True)

    plsc.subcore_barrier()
    pltpu.sync_copy(
        acc.at[pl.ds(sid * ROWS_PT, ROWS_PT)],
        out_hbm.at[cid, pl.ds(sid * ROWS_PT, ROWS_PT)],
    )

  return k(hp, src, dst, zeros_rows)


def _tc_matmul(x, w):
  def body(x_ref, w_ref, o_ref):
    o_ref[...] = jnp.dot(x_ref[...], w_ref[...],
                         preferred_element_type=jnp.float32)

  return pl.pallas_call(
      body, out_shape=jax.ShapeDtypeStruct((NP, D), jnp.float32))(x, w)


def _dinv(dp_ref):
  deg = dp_ref[0, :, 0:1] + dp_ref[1, :, 0:1] + 1.0
  return lax.rsqrt(deg)


def _tc_scale(m, degparts):
  def body(m_ref, dp_ref, o_ref):
    o_ref[...] = m_ref[...] * _dinv(dp_ref)

  return pl.pallas_call(
      body, out_shape=jax.ShapeDtypeStruct((NP, D), jnp.float32))(m, degparts)


def _tc_mid(parts1, h1p, degparts, w2, b1):
  def body(p_ref, h_ref, dp_ref, w_ref, b_ref, o_ref):
    dinv = _dinv(dp_ref)
    z = (p_ref[0] + p_ref[1] + h_ref[...]) * dinv + b_ref[...]
    z = jnp.maximum(z, 0.0)
    m2 = jnp.dot(z, w_ref[...], preferred_element_type=jnp.float32)
    o_ref[...] = m2 * dinv

  return pl.pallas_call(
      body, out_shape=jax.ShapeDtypeStruct((NP, D), jnp.float32))(
          parts1, h1p, degparts, w2, b1)


def _tc_final(parts2, h2p, degparts, b2):
  def body(p_ref, h_ref, dp_ref, b_ref, o_ref):
    o_ref[...] = (p_ref[0] + p_ref[1] + h_ref[...]) * _dinv(dp_ref) + b_ref[...]

  return pl.pallas_call(
      body, out_shape=jax.ShapeDtypeStruct((NP, D), jnp.float32))(
          parts2, h2p, degparts, b2)


def _block_edges(e):
  e = e.reshape(NW, EPT)
  pad = jnp.full((NW, JT * B - EPT), N, jnp.int32)
  return jnp.concatenate([e, pad], axis=1).reshape(NW, JT, B)


@jax.jit
def kernel(x, edge_index, W1, b1, W2, b2):
  src = edge_index[0].astype(jnp.int32)
  dst = edge_index[1].astype(jnp.int32)
  dstb = _block_edges(dst)
  xp = jnp.pad(x, ((0, NP - N), (0, 0)))
  ones_b = jnp.ones((B, D), jnp.float32)
  zeros_rows = jnp.zeros((ROWS_PT, D), jnp.float32)

  degparts = _sc_degree(dstb, ones_b, zeros_rows)
  m1 = _tc_matmul(xp, W1)
  h1p = _tc_scale(m1, degparts)
  parts1 = _sc_aggregate(h1p, src, dst, zeros_rows)
  h2p = _tc_mid(parts1, h1p, degparts, W2, b1.reshape(1, D))
  parts2 = _sc_aggregate(h2p, src, dst, zeros_rows)
  out = _tc_final(parts2, h2p, degparts, b2.reshape(1, D))
  return out[:N]

# --- scband reference (transcript-rebuilt; emitter-appended) ---
"""Pipeline reference for scband-graph-module-32719060861136 (READ-ONLY COPY).

The authoritative reference and input builder live on the scoring server;
editing this copy changes nothing except your own understanding.
"""

import jax, jax.numpy as jnp
import numpy as np

N = 10000
E = 320000
D_IN = 128
D_H = 128


def setup_inputs(seed: int = 0) -> dict:
    key = jax.random.key(seed)
    k1, k2, k3, k4, k5, k6 = jax.random.split(key, 6)
    x = jax.random.normal(k1, (N, D_IN), dtype=jnp.float32)
    edge_index = jax.random.randint(k2, (2, E), 0, N)
    W1 = jax.random.normal(k3, (D_IN, D_H), dtype=jnp.float32) * (1.0 / np.sqrt(D_IN))
    b1 = jnp.zeros((D_H,), dtype=jnp.float32)
    W2 = jax.random.normal(k4, (D_H, D_H), dtype=jnp.float32) * (1.0 / np.sqrt(D_H))
    b2 = jnp.zeros((D_H,), dtype=jnp.float32)
    return {"x": x, "edge_index": edge_index, "W1": W1, "b1": b1, "W2": W2, "b2": b2}


def _gcn_conv(x, edge_index, W, b):
    # PyG GCNConv (normalize=True, add_self_loops=True, edge_weight=None)
    src = edge_index[0]
    dst = edge_index[1]
    loop = jnp.arange(N, dtype=src.dtype)
    src_f = jnp.concatenate([src, loop])
    dst_f = jnp.concatenate([dst, loop])
    ew = jnp.ones(src_f.shape[0], dtype=x.dtype)
    deg = jnp.zeros(N, dtype=x.dtype).at[dst_f].add(ew)
    deg_inv_sqrt = jnp.where(deg > 0, jax.lax.rsqrt(jnp.where(deg > 0, deg, 1.0)), 0.0)
    norm = deg_inv_sqrt[src_f] * ew * deg_inv_sqrt[dst_f]
    h = x @ W
    msg = h[src_f] * norm[:, None]
    out = jax.ops.segment_sum(msg, dst_f, num_segments=N)
    return out + b


def reference(x, edge_index, W1, b1, W2, b2):
    h = _gcn_conv(x, edge_index, W1, b1)
    h = jax.nn.relu(h)
    out = _gcn_conv(h, edge_index, W2, b2)
    return out

if __name__ == "__main__":
    import jax
    _d = setup_inputs()
    print(jax.jit(kernel)(*tuple(_d.values())))

</pallas_src>

<mosaic_0001>
#map = affine_map<(d0, d1) -> (0, 0)>
#map1 = affine_map<(d0, d1) -> (0)>
#map2 = affine_map<(d0, d1) -> (0, 0, 0)>
module attributes {stable_mosaic.version = 14 : i64} {
  func.func @k(%arg0: i32, %arg1: i32, %arg2: memref<10240x128xf32, #tpu.memory_space<hbm>>, %arg3: memref<320000xi32, #tpu.memory_space<hbm>>, %arg4: memref<320000xi32, #tpu.memory_space<hbm>>, %arg5: memref<640x128xf32, #tpu.memory_space<hbm>>, %arg6: memref<2x10240x128xf32, #tpu.memory_space<hbm>>, %arg7: memref<10000xi32, #tpu.memory_space<vmem>>, %arg8: memref<10000xi32, #tpu.memory_space<vmem>>, %arg9: memref<80x128xf32, #tpu.memory_space<vmem>>, %arg10: memref<10240x128xf32, #tpu.memory_space<vmem_shared>>) attributes {dimension_semantics = [#tpu.dimension_semantics<core_parallel>, #tpu.dimension_semantics<subcore_parallel>], iteration_bounds = array<i64: 2, 16>, scalar_prefetch = 0 : i64, scratch_operands = 4 : i64, tpu.core_type = #tpu.core_type<sc_vector_subcore>, window_params = [{transform_indices = #map}, {transform_indices = #map1}, {transform_indices = #map1}, {transform_indices = #map}, {transform_indices = #map2}]} {
    %mul3A = arith.constant 16 : i32
    %mul3A_0 = arith.muli %arg0, %mul3A : i32
    %add3A = arith.addi %mul3A_0, %arg1 : i32
    %mul3A_1 = arith.constant 640 : i32
    %mul3A_2 = arith.muli %arg1, %mul3A_1 : i32
    "tpu.region"() ({
      %run_scoped3A = tpu.sem_alloc : memref<!tpu.dma_semaphore, #tpu.memory_space<semaphore_mem>>
      %dma_start3A = arith.constant 0 : i32
      %dma_start3A_16 = tpu.memref_slice %arg10[%mul3A_2, %dma_start3A] : memref<10240x128xf32, #tpu.memory_space<vmem_shared>> -> memref<640x128xf32, #tpu.memory_space<vmem_shared>>
      tpu.enqueue_dma source(%arg5 : memref<640x128xf32, #tpu.memory_space<hbm>>) target(%dma_start3A_16 : memref<640x128xf32, #tpu.memory_space<vmem_shared>>) target_semaphore(%run_scoped3A : memref<!tpu.dma_semaphore, #tpu.memory_space<semaphore_mem>>)
      %dma_wait3A = arith.constant 0 : i32
      %dma_wait3A_17 = tpu.memref_slice %arg10[%mul3A_2, %dma_wait3A] : memref<10240x128xf32, #tpu.memory_space<vmem_shared>> -> memref<640x128xf32, #tpu.memory_space<vmem_shared>>
      tpu.wait_dma2 semaphore(%run_scoped3A : memref<!tpu.dma_semaphore, #tpu.memory_space<semaphore_mem>>) src(%arg5 : memref<640x128xf32, #tpu.memory_space<hbm>>) dst(%dma_wait3A_17 : memref<640x128xf32, #tpu.memory_space<vmem_shared>>)
      tpu.yield
    }) : () -> ()
    %mul3A_3 = arith.constant 10000 : i32
    %mul3A_4 = arith.muli %add3A, %mul3A_3 : i32
    "tpu.region"() ({
      %run_scoped3A = tpu.sem_alloc : memref<!tpu.dma_semaphore, #tpu.memory_space<semaphore_mem>>
      %dma_start3A = tpu.memref_slice %arg3[%mul3A_4] : memref<320000xi32, #tpu.memory_space<hbm>> -> memref<10000xi32, #tpu.memory_space<hbm>>
      %dma_start3A_16 = tpu.memref_slice %arg3[%mul3A_4] : memref<320000xi32, #tpu.memory_space<hbm>> -> memref<10000xi32, #tpu.memory_space<hbm>>
      tpu.enqueue_dma source(%dma_start3A_16 : memref<10000xi32, #tpu.memory_space<hbm>>) target(%arg7 : memref<10000xi32, #tpu.memory_space<vmem>>) target_semaphore(%run_scoped3A : memref<!tpu.dma_semaphore, #tpu.memory_space<semaphore_mem>>)
      %dma_wait3A = tpu.memref_slice %arg3[%mul3A_4] : memref<320000xi32, #tpu.memory_space<hbm>> -> memref<10000xi32, #tpu.memory_space<hbm>>
      %dma_wait3A_17 = tpu.memref_slice %arg3[%mul3A_4] : memref<320000xi32, #tpu.memory_space<hbm>> -> memref<10000xi32, #tpu.memory_space<hbm>>
      tpu.wait_dma2 semaphore(%run_scoped3A : memref<!tpu.dma_semaphore, #tpu.memory_space<semaphore_mem>>) src(%dma_wait3A_17 : memref<10000xi32, #tpu.memory_space<hbm>>) dst(%arg7 : memref<10000xi32, #tpu.memory_space<vmem>>)
      tpu.yield
    }) : () -> ()
    %mul3A_5 = arith.constant 10000 : i32
    %mul3A_6 = arith.muli %add3A, %mul3A_5 : i32
    "tpu.region"() ({
      %run_scoped3A = tpu.sem_alloc : memref<!tpu.dma_semaphore, #tpu.memory_space<semaphore_mem>>
      %dma_start3A = tpu.memref_slice %arg4[%mul3A_6] : memref<320000xi32, #tpu.memory_space<hbm>> -> memref<10000xi32, #tpu.memory_space<hbm>>
      %dma_start3A_16 = tpu.memref_slice %arg4[%mul3A_6] : memref<320000xi32, #tpu.memory_space<hbm>> -> memref<10000xi32, #tpu.memory_space<hbm>>
      tpu.enqueue_dma source(%dma_start3A_16 : memref<10000xi32, #tpu.memory_space<hbm>>) target(%arg8 : memref<10000xi32, #tpu.memory_space<vmem>>) target_semaphore(%run_scoped3A : memref<!tpu.dma_semaphore, #tpu.memory_space<semaphore_mem>>)
      %dma_wait3A = tpu.memref_slice %arg4[%mul3A_6] : memref<320000xi32, #tpu.memory_space<hbm>> -> memref<10000xi32, #tpu.memory_space<hbm>>
      %dma_wait3A_17 = tpu.memref_slice %arg4[%mul3A_6] : memref<320000xi32, #tpu.memory_space<hbm>> -> memref<10000xi32, #tpu.memory_space<hbm>>
      tpu.wait_dma2 semaphore(%run_scoped3A : memref<!tpu.dma_semaphore, #tpu.memory_space<semaphore_mem>>) src(%dma_wait3A_17 : memref<10000xi32, #tpu.memory_space<hbm>>) dst(%arg8 : memref<10000xi32, #tpu.memory_space<vmem>>)
      tpu.yield
    }) : () -> ()
    %barrier3A = arith.constant 0 : index
    tpu.barrier barrier_id(%barrier3A)
    %scan3A = arith.constant 0 : i32
    %scan3A_7 = arith.constant 125 : i32
    %scan3A_8 = arith.addi %scan3A, %scan3A_7 : i32
    %scan3A_9 = arith.constant 1 : i32
    scf.for %scan3A_16 = %scan3A to %scan3A_8 step %scan3A_9  : i32 {
      %mul3A_17 = arith.constant 80 : i32
      %mul3A_18 = arith.muli %scan3A_16, %mul3A_17 : i32
      %add3A_19 = arith.constant 0 : i32
      %add3A_20 = arith.addi %add3A_19, %mul3A_18 : i32
      "tpu.region"() ({
        %run_scoped3A = tpu.sem_alloc : memref<!tpu.dma_semaphore, #tpu.memory_space<semaphore_mem>>
        %dma_start3A = tpu.memref_slice %arg7[%add3A_20] : memref<10000xi32, #tpu.memory_space<vmem>> -> memref<80xi32, #tpu.memory_space<vmem>>
        %dma_start3A_21 = arith.constant 0 : i32
        %dma_start3A_22 = arith.constant 0 : i32
        %dma_start3A_23 = tpu.memref_slice %arg2[%dma_start3A_21, %dma_start3A_22] : memref<10240x128xf32, #tpu.memory_space<hbm>> -> memref<10240x128xf32, #tpu.memory_space<hbm>>
        tpu.enqueue_indirect_dma source(%dma_start3A_23 : memref<10240x128xf32, #tpu.memory_space<hbm>>) target(%arg9 : memref<80x128xf32, #tpu.memory_space<vmem>>) offsets(%dma_start3A : memref<80xi32, #tpu.memory_space<vmem>>) semaphore(%run_scoped3A : memref<!tpu.dma_semaphore, #tpu.memory_space<semaphore_mem>>)
        %dma_wait3A = tpu.memref_slice %arg7[%add3A_20] : memref<10000xi32, #tpu.memory_space<vmem>> -> memref<80xi32, #tpu.memory_space<vmem>>
        %dma_wait3A_24 = arith.constant 0 : i32
        %dma_wait3A_25 = arith.constant 0 : i32
        %dma_wait3A_26 = tpu.memref_slice %arg2[%dma_wait3A_24, %dma_wait3A_25] : memref<10240x128xf32, #tpu.memory_space<hbm>> -> memref<10240x128xf32, #tpu.memory_space<hbm>>
        tpu.wait_indirect_dma semaphore(%run_scoped3A : memref<!tpu.dma_semaphore, #tpu.memory_space<semaphore_mem>>) src(%dma_wait3A_26 : memref<10240x128xf32, #tpu.memory_space<hbm>>) dst(%arg9 : memref<80x128xf32, #tpu.memory_space<vmem>>)
        tpu.yield
      }) : () -> ()
      "tpu.region"() ({
        %run_scoped3A = tpu.sem_alloc : memref<!tpu.dma_semaphore, #tpu.memory_space<semaphore_mem>>
        %dma_start3A = tpu.memref_slice %arg8[%add3A_20] : memref<10000xi32, #tpu.memory_space<vmem>> -> memref<80xi32, #tpu.memory_space<vmem>>
        %dma_start3A_21 = arith.constant 0 : i32
        %dma_start3A_22 = arith.constant 0 : i32
        %dma_start3A_23 = tpu.memref_slice %arg10[%dma_start3A_21, %dma_start3A_22] : memref<10240x128xf32, #tpu.memory_space<vmem_shared>> -> memref<10240x128xf32, #tpu.memory_space<vmem_shared>>
        tpu.enqueue_indirect_dma source(%arg9 : memref<80x128xf32, #tpu.memory_space<vmem>>) target(%dma_start3A_23 : memref<10240x128xf32, #tpu.memory_space<vmem_shared>>) offsets(%dma_start3A : memref<80xi32, #tpu.memory_space<vmem>>) semaphore(%run_scoped3A : memref<!tpu.dma_semaphore, #tpu.memory_space<semaphore_mem>>) {add = true}
        %dma_wait3A = tpu.memref_slice %arg8[%add3A_20] : memref<10000xi32, #tpu.memory_space<vmem>> -> memref<80xi32, #tpu.memory_space<vmem>>
        %dma_wait3A_24 = arith.constant 0 : i32
        %dma_wait3A_25 = arith.constant 0 : i32
        %dma_wait3A_26 = tpu.memref_slice %arg10[%dma_wait3A_24, %dma_wait3A_25] : memref<10240x128xf32, #tpu.memory_space<vmem_shared>> -> memref<10240x128xf32, #tpu.memory_space<vmem_shared>>
        tpu.wait_indirect_dma semaphore(%run_scoped3A : memref<!tpu.dma_semaphore, #tpu.memory_space<semaphore_mem>>) src(%arg9 : memref<80x128xf32, #tpu.memory_space<vmem>>) dst(%dma_wait3A_26 : memref<10240x128xf32, #tpu.memory_space<vmem_shared>>)
        tpu.yield
      }) : () -> ()
    }
    %scan3A_10 = arith.constant 125 : i32
    %barrier3A_11 = arith.constant 0 : index
    tpu.barrier barrier_id(%barrier3A_11)
    %mul3A_12 = arith.constant 640 : i32
    %mul3A_13 = arith.muli %arg1, %mul3A_12 : i32
    %mul3A_14 = arith.constant 640 : i32
    %mul3A_15 = arith.muli %arg1, %mul3A_14 : i32
    "tpu.region"() ({
      %run_scoped3A = tpu.sem_alloc : memref<!tpu.dma_semaphore, #tpu.memory_space<semaphore_mem>>
      %dma_start3A = arith.constant 0 : i32
      %dma_start3A_16 = tpu.memref_slice %arg6[%arg0, %mul3A_15, %dma_start3A] : memref<2x10240x128xf32, #tpu.memory_space<hbm>> -> memref<1x640x128xf32, #tpu.memory_space<hbm>>
      %dma_start3A_17 = tpu.memref_squeeze %dma_start3A_16 : memref<1x640x128xf32, #tpu.memory_space<hbm>> -> memref<640x128xf32, #tpu.memory_space<hbm>>
      %dma_start3A_18 = arith.constant 0 : i32
      %dma_start3A_19 = tpu.memref_slice %arg10[%mul3A_13, %dma_start3A_18] : memref<10240x128xf32, #tpu.memory_space<vmem_shared>> -> memref<640x128xf32, #tpu.memory_space<vmem_shared>>
      tpu.enqueue_dma source(%dma_start3A_19 : memref<640x128xf32, #tpu.memory_space<vmem_shared>>) target(%dma_start3A_17 : memref<640x128xf32, #tpu.memory_space<hbm>>) target_semaphore(%run_scoped3A : memref<!tpu.dma_semaphore, #tpu.memory_space<semaphore_mem>>)
      %dma_wait3A = arith.constant 0 : i32
      %dma_wait3A_20 = tpu.memref_slice %arg6[%arg0, %mul3A_15, %dma_wait3A] : memref<2x10240x128xf32, #tpu.memory_space<hbm>> -> memref<1x640x128xf32, #tpu.memory_space<hbm>>
      %dma_wait3A_21 = tpu.memref_squeeze %dma_wait3A_20 : memref<1x640x128xf32, #tpu.memory_space<hbm>> -> memref<640x128xf32, #tpu.memory_space<hbm>>
      %dma_wait3A_22 = arith.constant 0 : i32
      %dma_wait3A_23 = tpu.memref_slice %arg10[%mul3A_13, %dma_wait3A_22] : memref<10240x128xf32, #tpu.memory_space<vmem_shared>> -> memref<640x128xf32, #tpu.memory_space<vmem_shared>>
      tpu.wait_dma2 semaphore(%run_scoped3A : memref<!tpu.dma_semaphore, #tpu.memory_space<semaphore_mem>>) src(%dma_wait3A_23 : memref<640x128xf32, #tpu.memory_space<vmem_shared>>) dst(%dma_wait3A_21 : memref<640x128xf32, #tpu.memory_space<hbm>>)
      tpu.yield
    }) : () -> ()
    return
  }
}

#map = affine_map<(d0, d1) -> (0, 0, 0)>
#map1 = affine_map<(d0, d1) -> (0, 0)>
module attributes {stable_mosaic.version = 14 : i64} {
  func.func @k(%arg0: i32, %arg1: i32, %arg2: memref<32x80x128xi32, #tpu.memory_space<hbm>>, %arg3: memref<128x128xf32, #tpu.memory_space<hbm>>, %arg4: memref<640x128xf32, #tpu.memory_space<hbm>>, %arg5: memref<2x10240x128xf32, #tpu.memory_space<hbm>>, %arg6: memref<80x128xi32, #tpu.memory_space<vmem>>, %arg7: memref<128x128xf32, #tpu.memory_space<vmem>>, %arg8: memref<10240x128xf32, #tpu.memory_space<vmem_shared>>) attributes {dimension_semantics = [#tpu.dimension_semantics<core_parallel>, #tpu.dimension_semantics<subcore_parallel>], iteration_bounds = array<i64: 2, 16>, scalar_prefetch = 0 : i64, scratch_operands = 3 : i64, tpu.core_type = #tpu.core_type<sc_vector_subcore>, window_params = [{transform_indices = #map}, {transform_indices = #map1}, {transform_indices = #map1}, {transform_indices = #map}]} {
    %mul3A = arith.constant 16 : i32
    %mul3A_0 = arith.muli %arg0, %mul3A : i32
    %add3A = arith.addi %mul3A_0, %arg1 : i32
    %mul3A_1 = arith.constant 640 : i32
    %mul3A_2 = arith.muli %arg1, %mul3A_1 : i32
    "tpu.region"() ({
      %run_scoped3A = tpu.sem_alloc : memref<!tpu.dma_semaphore, #tpu.memory_space<semaphore_mem>>
      %dma_start3A = arith.constant 0 : i32
      %dma_start3A_12 = tpu.memref_slice %arg8[%mul3A_2, %dma_start3A] : memref<10240x128xf32, #tpu.memory_space<vmem_shared>> -> memref<640x128xf32, #tpu.memory_space<vmem_shared>>
      tpu.enqueue_dma source(%arg4 : memref<640x128xf32, #tpu.memory_space<hbm>>) target(%dma_start3A_12 : memref<640x128xf32, #tpu.memory_space<vmem_shared>>) target_semaphore(%run_scoped3A : memref<!tpu.dma_semaphore, #tpu.memory_space<semaphore_mem>>)
      %dma_wait3A = arith.constant 0 : i32
      %dma_wait3A_13 = tpu.memref_slice %arg8[%mul3A_2, %dma_wait3A] : memref<10240x128xf32, #tpu.memory_space<vmem_shared>> -> memref<640x128xf32, #tpu.memory_space<vmem_shared>>
      tpu.wait_dma2 semaphore(%run_scoped3A : memref<!tpu.dma_semaphore, #tpu.memory_space<semaphore_mem>>) src(%arg4 : memref<640x128xf32, #tpu.memory_space<hbm>>) dst(%dma_wait3A_13 : memref<640x128xf32, #tpu.memory_space<vmem_shared>>)
      tpu.yield
    }) : () -> ()
    "tpu.region"() ({
      %run_scoped3A = tpu.sem_alloc : memref<!tpu.dma_semaphore, #tpu.memory_space<semaphore_mem>>
      tpu.enqueue_dma source(%arg3 : memref<128x128xf32, #tpu.memory_space<hbm>>) target(%arg7 : memref<128x128xf32, #tpu.memory_space<vmem>>) target_semaphore(%run_scoped3A : memref<!tpu.dma_semaphore, #tpu.memory_space<semaphore_mem>>)
      tpu.wait_dma2 semaphore(%run_scoped3A : memref<!tpu.dma_semaphore, #tpu.memory_space<semaphore_mem>>) src(%arg3 : memref<128x128xf32, #tpu.memory_space<hbm>>) dst(%arg7 : memref<128x128xf32, #tpu.memory_space<vmem>>)
      tpu.yield
    }) : () -> ()
    "tpu.region"() ({
      %run_scoped3A = tpu.sem_alloc : memref<!tpu.dma_semaphore, #tpu.memory_space<semaphore_mem>>
      %dma_start3A = arith.constant 0 : i32
      %dma_start3A_12 = arith.constant 0 : i32
      %dma_start3A_13 = tpu.memref_slice %arg2[%add3A, %dma_start3A, %dma_start3A_12] : memref<32x80x128xi32, #tpu.memory_space<hbm>> -> memref<1x80x128xi32, #tpu.memory_space<hbm>>
      %dma_start3A_14 = tpu.memref_squeeze %dma_start3A_13 : memref<1x80x128xi32, #tpu.memory_space<hbm>> -> memref<80x128xi32, #tpu.memory_space<hbm>>
      %dma_start3A_15 = arith.constant 0 : i32
      %dma_start3A_16 = arith.constant 0 : i32
      %dma_start3A_17 = tpu.memref_slice %arg2[%add3A, %dma_start3A_15, %dma_start3A_16] : memref<32x80x128xi32, #tpu.memory_space<hbm>> -> memref<1x80x128xi32, #tpu.memory_space<hbm>>
      %dma_start3A_18 = tpu.memref_squeeze %dma_start3A_17 : memref<1x80x128xi32, #tpu.memory_space<hbm>> -> memref<80x128xi32, #tpu.memory_space<hbm>>
      tpu.enqueue_dma source(%dma_start3A_18 : memref<80x128xi32, #tpu.memory_space<hbm>>) target(%arg6 : memref<80x128xi32, #tpu.memory_space<vmem>>) target_semaphore(%run_scoped3A : memref<!tpu.dma_semaphore, #tpu.memory_space<semaphore_mem>>)
      %dma_wait3A = arith.constant 0 : i32
      %dma_wait3A_19 = arith.constant 0 : i32
      %dma_wait3A_20 = tpu.memref_slice %arg2[%add3A, %dma_wait3A, %dma_wait3A_19] : memref<32x80x128xi32, #tpu.memory_space<hbm>> -> memref<1x80x128xi32, #tpu.memory_space<hbm>>
      %dma_wait3A_21 = tpu.memref_squeeze %dma_wait3A_20 : memref<1x80x128xi32, #tpu.memory_space<hbm>> -> memref<80x128xi32, #tpu.memory_space<hbm>>
      %dma_wait3A_22 = arith.constant 0 : i32
      %dma_wait3A_23 = arith.constant 0 : i32
      %dma_wait3A_24 = tpu.memref_slice %arg2[%add3A, %dma_wait3A_22, %dma_wait3A_23] : memref<32x80x128xi32, #tpu.memory_space<hbm>> -> memref<1x80x128xi32, #tpu.memory_space<hbm>>
      %dma_wait3A_25 = tpu.memref_squeeze %dma_wait3A_24 : memref<1x80x128xi32, #tpu.memory_space<hbm>> -> memref<80x128xi32, #tpu.memory_space<hbm>>
      tpu.wait_dma2 semaphore(%run_scoped3A : memref<!tpu.dma_semaphore, #tpu.memory_space<semaphore_mem>>) src(%dma_wait3A_25 : memref<80x128xi32, #tpu.memory_space<hbm>>) dst(%arg6 : memref<80x128xi32, #tpu.memory_space<vmem>>)
      tpu.yield
    }) : () -> ()
    %barrier3A = arith.constant 0 : index
    tpu.barrier barrier_id(%barrier3A)
    %scan3A = arith.constant 0 : i32
    %scan3A_3 = arith.constant 80 : i32
    %scan3A_4 = arith.addi %scan3A, %scan3A_3 : i32
    %scan3A_5 = arith.constant 1 : i32
    scf.for %scan3A_12 = %scan3A to %scan3A_4 step %scan3A_5  : i32 {
      %mul3A_13 = arith.constant 1 : i32
      %mul3A_14 = arith.muli %scan3A_12, %mul3A_13 : i32
      %add3A_15 = arith.constant 0 : i32
      %add3A_16 = arith.addi %add3A_15, %mul3A_14 : i32
      "tpu.region"() ({
        %run_scoped3A = tpu.sem_alloc : memref<!tpu.dma_semaphore, #tpu.memory_space<semaphore_mem>>
        %dma_start3A = arith.constant 0 : i32
        %dma_start3A_17 = tpu.memref_slice %arg6[%add3A_16, %dma_start3A] : memref<80x128xi32, #tpu.memory_space<vmem>> -> memref<1x128xi32, #tpu.memory_space<vmem>>
        %dma_start3A_18 = tpu.memref_squeeze %dma_start3A_17 : memref<1x128xi32, #tpu.memory_space<vmem>> -> memref<128xi32, #tpu.memory_space<vmem>>
        %dma_start3A_19 = arith.constant 0 : i32
        %dma_start3A_20 = arith.constant 0 : i32
        %dma_start3A_21 = tpu.memref_slice %arg8[%dma_start3A_19, %dma_start3A_20] : memref<10240x128xf32, #tpu.memory_space<vmem_shared>> -> memref<10240x128xf32, #tpu.memory_space<vmem_shared>>
        tpu.enqueue_indirect_dma source(%arg7 : memref<128x128xf32, #tpu.memory_space<vmem>>) target(%dma_start3A_21 : memref<10240x128xf32, #tpu.memory_space<vmem_shared>>) offsets(%dma_start3A_18 : memref<128xi32, #tpu.memory_space<vmem>>) semaphore(%run_scoped3A : memref<!tpu.dma_semaphore, #tpu.memory_space<semaphore_mem>>) {add = true}
        %dma_wait3A = arith.constant 0 : i32
        %dma_wait3A_22 = tpu.memref_slice %arg6[%add3A_16, %dma_wait3A] : memref<80x128xi32, #tpu.memory_space<vmem>> -> memref<1x128xi32, #tpu.memory_space<vmem>>
        %dma_wait3A_23 = tpu.memref_squeeze %dma_wait3A_22 : memref<1x128xi32, #tpu.memory_space<vmem>> -> memref<128xi32, #tpu.memory_space<vmem>>
        %dma_wait3A_24 = arith.constant 0 : i32
        %dma_wait3A_25 = arith.constant 0 : i32
        %dma_wait3A_26 = tpu.memref_slice %arg8[%dma_wait3A_24, %dma_wait3A_25] : memref<10240x128xf32, #tpu.memory_space<vmem_shared>> -> memref<10240x128xf32, #tpu.memory_space<vmem_shared>>
        tpu.wait_indirect_dma semaphore(%run_scoped3A : memref<!tpu.dma_semaphore, #tpu.memory_space<semaphore_mem>>) src(%arg7 : memref<128x128xf32, #tpu.memory_space<vmem>>) dst(%dma_wait3A_26 : memref<10240x128xf32, #tpu.memory_space<vmem_shared>>)
        tpu.yield
      }) : () -> ()
    }
    %scan3A_6 = arith.constant 80 : i32
    %barrier3A_7 = arith.constant 0 : index
    tpu.barrier barrier_id(%barrier3A_7)
    %mul3A_8 = arith.constant 640 : i32
    %mul3A_9 = arith.muli %arg1, %mul3A_8 : i32
    %mul3A_10 = arith.constant 640 : i32
    %mul3A_11 = arith.muli %arg1, %mul3A_10 : i32
    "tpu.region"() ({
      %run_scoped3A = tpu.sem_alloc : memref<!tpu.dma_semaphore, #tpu.memory_space<semaphore_mem>>
      %dma_start3A = arith.constant 0 : i32
      %dma_start3A_12 = tpu.memref_slice %arg5[%arg0, %mul3A_11, %dma_start3A] : memref<2x10240x128xf32, #tpu.memory_space<hbm>> -> memref<1x640x128xf32, #tpu.memory_space<hbm>>
      %dma_start3A_13 = tpu.memref_squeeze %dma_start3A_12 : memref<1x640x128xf32, #tpu.memory_space<hbm>> -> memref<640x128xf32, #tpu.memory_space<hbm>>
      %dma_start3A_14 = arith.constant 0 : i32
      %dma_start3A_15 = tpu.memref_slice %arg8[%mul3A_9, %dma_start3A_14] : memref<10240x128xf32, #tpu.memory_space<vmem_shared>> -> memref<640x128xf32, #tpu.memory_space<vmem_shared>>
      tpu.enqueue_dma source(%dma_start3A_15 : memref<640x128xf32, #tpu.memory_space<vmem_shared>>) target(%dma_start3A_13 : memref<640x128xf32, #tpu.memory_space<hbm>>) target_semaphore(%run_scoped3A : memref<!tpu.dma_semaphore, #tpu.memory_space<semaphore_mem>>)
      %dma_wait3A = arith.constant 0 : i32
      %dma_wait3A_16 = tpu.memref_slice %arg5[%arg0, %mul3A_11, %dma_wait3A] : memref<2x10240x128xf32, #tpu.memory_space<hbm>> -> memref<1x640x128xf32, #tpu.memory_space<hbm>>
      %dma_wait3A_17 = tpu.memref_squeeze %dma_wait3A_16 : memref<1x640x128xf32, #tpu.memory_space<hbm>> -> memref<640x128xf32, #tpu.memory_space<hbm>>
      %dma_wait3A_18 = arith.constant 0 : i32
      %dma_wait3A_19 = tpu.memref_slice %arg8[%mul3A_9, %dma_wait3A_18] : memref<10240x128xf32, #tpu.memory_space<vmem_shared>> -> memref<640x128xf32, #tpu.memory_space<vmem_shared>>
      tpu.wait_dma2 semaphore(%run_scoped3A : memref<!tpu.dma_semaphore, #tpu.memory_space<semaphore_mem>>) src(%dma_wait3A_19 : memref<640x128xf32, #tpu.memory_space<vmem_shared>>) dst(%dma_wait3A_17 : memref<640x128xf32, #tpu.memory_space<hbm>>)
      tpu.yield
    }) : () -> ()
    return
  }
}

#map = affine_map<(d0, d1) -> (0, 0)>
#map1 = affine_map<(d0, d1) -> (0)>
#map2 = affine_map<(d0, d1) -> (0, 0, 0)>
module attributes {stable_mosaic.version = 14 : i64} {
  func.func @k(%arg0: i32, %arg1: i32, %arg2: memref<10240x128xf32, #tpu.memory_space<hbm>>, %arg3: memref<320000xi32, #tpu.memory_space<hbm>>, %arg4: memref<320000xi32, #tpu.memory_space<hbm>>, %arg5: memref<640x128xf32, #tpu.memory_space<hbm>>, %arg6: memref<2x10240x128xf32, #tpu.memory_space<hbm>>, %arg7: memref<10000xi32, #tpu.memory_space<vmem>>, %arg8: memref<10000xi32, #tpu.memory_space<vmem>>, %arg9: memref<80x128xf32, #tpu.memory_space<vmem>>, %arg10: memref<10240x128xf32, #tpu.memory_space<vmem_shared>>) attributes {dimension_semantics = [#tpu.dimension_semantics<core_parallel>, #tpu.dimension_semantics<subcore_parallel>], iteration_bounds = array<i64: 2, 16>, scalar_prefetch = 0 : i64, scratch_operands = 4 : i64, tpu.core_type = #tpu.core_type<sc_vector_subcore>, window_params = [{transform_indices = #map}, {transform_indices = #map1}, {transform_indices = #map1}, {transform_indices = #map}, {transform_indices = #map2}]} {
    %mul3A = arith.constant 16 : i32
    %mul3A_0 = arith.muli %arg0, %mul3A : i32
    %add3A = arith.addi %mul3A_0, %arg1 : i32
    %mul3A_1 = arith.constant 640 : i32
    %mul3A_2 = arith.muli %arg1, %mul3A_1 : i32
    "tpu.region"() ({
      %run_scoped3A = tpu.sem_alloc : memref<!tpu.dma_semaphore, #tpu.memory_space<semaphore_mem>>
      %dma_start3A = arith.constant 0 : i32
      %dma_start3A_16 = tpu.memref_slice %arg10[%mul3A_2, %dma_start3A] : memref<10240x128xf32, #tpu.memory_space<vmem_shared>> -> memref<640x128xf32, #tpu.memory_space<vmem_shared>>
      tpu.enqueue_dma source(%arg5 : memref<640x128xf32, #tpu.memory_space<hbm>>) target(%dma_start3A_16 : memref<640x128xf32, #tpu.memory_space<vmem_shared>>) target_semaphore(%run_scoped3A : memref<!tpu.dma_semaphore, #tpu.memory_space<semaphore_mem>>)
      %dma_wait3A = arith.constant 0 : i32
      %dma_wait3A_17 = tpu.memref_slice %arg10[%mul3A_2, %dma_wait3A] : memref<10240x128xf32, #tpu.memory_space<vmem_shared>> -> memref<640x128xf32, #tpu.memory_space<vmem_shared>>
      tpu.wait_dma2 semaphore(%run_scoped3A : memref<!tpu.dma_semaphore, #tpu.memory_space<semaphore_mem>>) src(%arg5 : memref<640x128xf32, #tpu.memory_space<hbm>>) dst(%dma_wait3A_17 : memref<640x128xf32, #tpu.memory_space<vmem_shared>>)
      tpu.yield
    }) : () -> ()
    %mul3A_3 = arith.constant 10000 : i32
    %mul3A_4 = arith.muli %add3A, %mul3A_3 : i32
    "tpu.region"() ({
      %run_scoped3A = tpu.sem_alloc : memref<!tpu.dma_semaphore, #tpu.memory_space<semaphore_mem>>
      %dma_start3A = tpu.memref_slice %arg3[%mul3A_4] : memref<320000xi32, #tpu.memory_space<hbm>> -> memref<10000xi32, #tpu.memory_space<hbm>>
      %dma_start3A_16 = tpu.memref_slice %arg3[%mul3A_4] : memref<320000xi32, #tpu.memory_space<hbm>> -> memref<10000xi32, #tpu.memory_space<hbm>>
      tpu.enqueue_dma source(%dma_start3A_16 : memref<10000xi32, #tpu.memory_space<hbm>>) target(%arg7 : memref<10000xi32, #tpu.memory_space<vmem>>) target_semaphore(%run_scoped3A : memref<!tpu.dma_semaphore, #tpu.memory_space<semaphore_mem>>)
      %dma_wait3A = tpu.memref_slice %arg3[%mul3A_4] : memref<320000xi32, #tpu.memory_space<hbm>> -> memref<10000xi32, #tpu.memory_space<hbm>>
      %dma_wait3A_17 = tpu.memref_slice %arg3[%mul3A_4] : memref<320000xi32, #tpu.memory_space<hbm>> -> memref<10000xi32, #tpu.memory_space<hbm>>
      tpu.wait_dma2 semaphore(%run_scoped3A : memref<!tpu.dma_semaphore, #tpu.memory_space<semaphore_mem>>) src(%dma_wait3A_17 : memref<10000xi32, #tpu.memory_space<hbm>>) dst(%arg7 : memref<10000xi32, #tpu.memory_space<vmem>>)
      tpu.yield
    }) : () -> ()
    %mul3A_5 = arith.constant 10000 : i32
    %mul3A_6 = arith.muli %add3A, %mul3A_5 : i32
    "tpu.region"() ({
      %run_scoped3A = tpu.sem_alloc : memref<!tpu.dma_semaphore, #tpu.memory_space<semaphore_mem>>
      %dma_start3A = tpu.memref_slice %arg4[%mul3A_6] : memref<320000xi32, #tpu.memory_space<hbm>> -> memref<10000xi32, #tpu.memory_space<hbm>>
      %dma_start3A_16 = tpu.memref_slice %arg4[%mul3A_6] : memref<320000xi32, #tpu.memory_space<hbm>> -> memref<10000xi32, #tpu.memory_space<hbm>>
      tpu.enqueue_dma source(%dma_start3A_16 : memref<10000xi32, #tpu.memory_space<hbm>>) target(%arg8 : memref<10000xi32, #tpu.memory_space<vmem>>) target_semaphore(%run_scoped3A : memref<!tpu.dma_semaphore, #tpu.memory_space<semaphore_mem>>)
      %dma_wait3A = tpu.memref_slice %arg4[%mul3A_6] : memref<320000xi32, #tpu.memory_space<hbm>> -> memref<10000xi32, #tpu.memory_space<hbm>>
      %dma_wait3A_17 = tpu.memref_slice %arg4[%mul3A_6] : memref<320000xi32, #tpu.memory_space<hbm>> -> memref<10000xi32, #tpu.memory_space<hbm>>
      tpu.wait_dma2 semaphore(%run_scoped3A : memref<!tpu.dma_semaphore, #tpu.memory_space<semaphore_mem>>) src(%dma_wait3A_17 : memref<10000xi32, #tpu.memory_space<hbm>>) dst(%arg8 : memref<10000xi32, #tpu.memory_space<vmem>>)
      tpu.yield
    }) : () -> ()
    %barrier3A = arith.constant 0 : index
    tpu.barrier barrier_id(%barrier3A)
    %scan3A = arith.constant 0 : i32
    %scan3A_7 = arith.constant 125 : i32
    %scan3A_8 = arith.addi %scan3A, %scan3A_7 : i32
    %scan3A_9 = arith.constant 1 : i32
    scf.for %scan3A_16 = %scan3A to %scan3A_8 step %scan3A_9  : i32 {
      %mul3A_17 = arith.constant 80 : i32
      %mul3A_18 = arith.muli %scan3A_16, %mul3A_17 : i32
      %add3A_19 = arith.constant 0 : i32
      %add3A_20 = arith.addi %add3A_19, %mul3A_18 : i32
      "tpu.region"() ({
        %run_scoped3A = tpu.sem_alloc : memref<!tpu.dma_semaphore, #tpu.memory_space<semaphore_mem>>
        %dma_start3A = tpu.memref_slice %arg7[%add3A_20] : memref<10000xi32, #tpu.memory_space<vmem>> -> memref<80xi32, #tpu.memory_space<vmem>>
        %dma_start3A_21 = arith.constant 0 : i32
        %dma_start3A_22 = arith.constant 0 : i32
        %dma_start3A_23 = tpu.memref_slice %arg2[%dma_start3A_21, %dma_start3A_22] : memref<10240x128xf32, #tpu.memory_space<hbm>> -> memref<10240x128xf32, #tpu.memory_space<hbm>>
        tpu.enqueue_indirect_dma source(%dma_start3A_23 : memref<10240x128xf32, #tpu.memory_space<hbm>>) target(%arg9 : memref<80x128xf32, #tpu.memory_space<vmem>>) offsets(%dma_start3A : memref<80xi32, #tpu.memory_space<vmem>>) semaphore(%run_scoped3A : memref<!tpu.dma_semaphore, #tpu.memory_space<semaphore_mem>>)
        %dma_wait3A = tpu.memref_slice %arg7[%add3A_20] : memref<10000xi32, #tpu.memory_space<vmem>> -> memref<80xi32, #tpu.memory_space<vmem>>
        %dma_wait3A_24 = arith.constant 0 : i32
        %dma_wait3A_25 = arith.constant 0 : i32
        %dma_wait3A_26 = tpu.memref_slice %arg2[%dma_wait3A_24, %dma_wait3A_25] : memref<10240x128xf32, #tpu.memory_space<hbm>> -> memref<10240x128xf32, #tpu.memory_space<hbm>>
        tpu.wait_indirect_dma semaphore(%run_scoped3A : memref<!tpu.dma_semaphore, #tpu.memory_space<semaphore_mem>>) src(%dma_wait3A_26 : memref<10240x128xf32, #tpu.memory_space<hbm>>) dst(%arg9 : memref<80x128xf32, #tpu.memory_space<vmem>>)
        tpu.yield
      }) : () -> ()
      "tpu.region"() ({
        %run_scoped3A = tpu.sem_alloc : memref<!tpu.dma_semaphore, #tpu.memory_space<semaphore_mem>>
        %dma_start3A = tpu.memref_slice %arg8[%add3A_20] : memref<10000xi32, #tpu.memory_space<vmem>> -> memref<80xi32, #tpu.memory_space<vmem>>
        %dma_start3A_21 = arith.constant 0 : i32
        %dma_start3A_22 = arith.constant 0 : i32
        %dma_start3A_23 = tpu.memref_slice %arg10[%dma_start3A_21, %dma_start3A_22] : memref<10240x128xf32, #tpu.memory_space<vmem_shared>> -> memref<10240x128xf32, #tpu.memory_space<vmem_shared>>
        tpu.enqueue_indirect_dma source(%arg9 : memref<80x128xf32, #tpu.memory_space<vmem>>) target(%dma_start3A_23 : memref<10240x128xf32, #tpu.memory_space<vmem_shared>>) offsets(%dma_start3A : memref<80xi32, #tpu.memory_space<vmem>>) semaphore(%run_scoped3A : memref<!tpu.dma_semaphore, #tpu.memory_space<semaphore_mem>>) {add = true}
        %dma_wait3A = tpu.memref_slice %arg8[%add3A_20] : memref<10000xi32, #tpu.memory_space<vmem>> -> memref<80xi32, #tpu.memory_space<vmem>>
        %dma_wait3A_24 = arith.constant 0 : i32
        %dma_wait3A_25 = arith.constant 0 : i32
        %dma_wait3A_26 = tpu.memref_slice %arg10[%dma_wait3A_24, %dma_wait3A_25] : memref<10240x128xf32, #tpu.memory_space<vmem_shared>> -> memref<10240x128xf32, #tpu.memory_space<vmem_shared>>
        tpu.wait_indirect_dma semaphore(%run_scoped3A : memref<!tpu.dma_semaphore, #tpu.memory_space<semaphore_mem>>) src(%arg9 : memref<80x128xf32, #tpu.memory_space<vmem>>) dst(%dma_wait3A_26 : memref<10240x128xf32, #tpu.memory_space<vmem_shared>>)
        tpu.yield
      }) : () -> ()
    }
    %scan3A_10 = arith.constant 125 : i32
    %barrier3A_11 = arith.constant 0 : index
    tpu.barrier barrier_id(%barrier3A_11)
    %mul3A_12 = arith.constant 640 : i32
    %mul3A_13 = arith.muli %arg1, %mul3A_12 : i32
    %mul3A_14 = arith.constant 640 : i32
    %mul3A_15 = arith.muli %arg1, %mul3A_14 : i32
    "tpu.region"() ({
      %run_scoped3A = tpu.sem_alloc : memref<!tpu.dma_semaphore, #tpu.memory_space<semaphore_mem>>
      %dma_start3A = arith.constant 0 : i32
      %dma_start3A_16 = tpu.memref_slice %arg6[%arg0, %mul3A_15, %dma_start3A] : memref<2x10240x128xf32, #tpu.memory_space<hbm>> -> memref<1x640x128xf32, #tpu.memory_space<hbm>>
      %dma_start3A_17 = tpu.memref_squeeze %dma_start3A_16 : memref<1x640x128xf32, #tpu.memory_space<hbm>> -> memref<640x128xf32, #tpu.memory_space<hbm>>
      %dma_start3A_18 = arith.constant 0 : i32
      %dma_start3A_19 = tpu.memref_slice %arg10[%mul3A_13, %dma_start3A_18] : memref<10240x128xf32, #tpu.memory_space<vmem_shared>> -> memref<640x128xf32, #tpu.memory_space<vmem_shared>>
      tpu.enqueue_dma source(%dma_start3A_19 : memref<640x128xf32, #tpu.memory_space<vmem_shared>>) target(%dma_start3A_17 : memref<640x128xf32, #tpu.memory_space<hbm>>) target_semaphore(%run_scoped3A : memref<!tpu.dma_semaphore, #tpu.memory_space<semaphore_mem>>)
      %dma_wait3A = arith.constant 0 : i32
      %dma_wait3A_20 = tpu.memref_slice %arg6[%arg0, %mul3A_15, %dma_wait3A] : memref<2x10240x128xf32, #tpu.memory_space<hbm>> -> memref<1x640x128xf32, #tpu.memory_space<hbm>>
      %dma_wait3A_21 = tpu.memref_squeeze %dma_wait3A_20 : memref<1x640x128xf32, #tpu.memory_space<hbm>> -> memref<640x128xf32, #tpu.memory_space<hbm>>
      %dma_wait3A_22 = arith.constant 0 : i32
      %dma_wait3A_23 = tpu.memref_slice %arg10[%mul3A_13, %dma_wait3A_22] : memref<10240x128xf32, #tpu.memory_space<vmem_shared>> -> memref<640x128xf32, #tpu.memory_space<vmem_shared>>
      tpu.wait_dma2 semaphore(%run_scoped3A : memref<!tpu.dma_semaphore, #tpu.memory_space<semaphore_mem>>) src(%dma_wait3A_23 : memref<640x128xf32, #tpu.memory_space<vmem_shared>>) dst(%dma_wait3A_21 : memref<640x128xf32, #tpu.memory_space<hbm>>)
      tpu.yield
    }) : () -> ()
    return
  }
}

module attributes {stable_mosaic.version = 14 : i64} {
  func.func @body(%arg0: memref<10240x128xf32, #tpu.memory_space<vmem>>, %arg1: memref<128x128xf32, #tpu.memory_space<vmem>>, %arg2: memref<10240x128xf32, #tpu.memory_space<vmem>>) attributes {dimension_semantics = [], scalar_prefetch = 0 : i64, scratch_operands = 0 : i64, tpu.core_type = #tpu.core_type<tc>} {
    %get3A = arith.constant 0 : index
    %get3A_0 = arith.constant 0 : index
    %get3A_1 = vector.load %arg0[%get3A, %get3A_0] : memref<10240x128xf32, #tpu.memory_space<vmem>>, vector<10240x128xf32>
    %get3A_2 = arith.constant 0 : index
    %get3A_3 = arith.constant 0 : index
    %get3A_4 = vector.load %arg1[%get3A_2, %get3A_3] : memref<128x128xf32, #tpu.memory_space<vmem>>, vector<128x128xf32>
    %dot_general3A = arith.constant dense<0.000000e+00> : vector<10240x128xf32>
    %dot_general3A_5 = tpu.matmul %get3A_1, %get3A_4, %dot_general3A {dimension_numbers = #tpu.dot_dimension_numbers<[1], [0], [0], [1], [0, 0, 1, 1], [], []>, transpose_lhs_hint = false} : vector<10240x128xf32>, vector<128x128xf32>, vector<10240x128xf32> -> vector<10240x128xf32>
    %swap3A = arith.constant 0 : index
    %swap3A_6 = arith.constant 0 : index
    %swap3A_7 = vector.load %arg2[%swap3A, %swap3A_6] : memref<10240x128xf32, #tpu.memory_space<vmem>>, vector<10240x128xf32>
    tpu.vector_store %arg2[%swap3A, %swap3A_6], %dot_general3A_5 {strides = array<i32>} : memref<10240x128xf32, #tpu.memory_space<vmem>>, vector<10240x128xf32>,
    return
  }
}

module attributes {stable_mosaic.version = 14 : i64} {
  func.func @body(%arg0: memref<10240x128xf32, #tpu.memory_space<vmem>>, %arg1: memref<2x10240x128xf32, #tpu.memory_space<vmem>>, %arg2: memref<10240x128xf32, #tpu.memory_space<vmem>>) attributes {dimension_semantics = [], scalar_prefetch = 0 : i64, scratch_operands = 0 : i64, tpu.core_type = #tpu.core_type<tc>} {
    %get3A = arith.constant 0 : index
    %get3A_0 = arith.constant 0 : index
    %get3A_1 = vector.load %arg0[%get3A, %get3A_0] : memref<10240x128xf32, #tpu.memory_space<vmem>>, vector<10240x128xf32>
    %get3A_2 = arith.constant 0 : index
    %get3A_3 = arith.constant 0 : index
    %get3A_4 = arith.constant 0 : index
    %get3A_5 = vector.load %arg1[%get3A_2, %get3A_3, %get3A_4] : memref<2x10240x128xf32, #tpu.memory_space<vmem>>, vector<1x10240x1xf32>
    %get3A_6 = vector.shape_cast %get3A_5 : vector<1x10240x1xf32> to vector<10240x1xf32>
    %get3A_7 = arith.constant 1 : index
    %get3A_8 = arith.constant 0 : index
    %get3A_9 = arith.constant 0 : index
    %get3A_10 = vector.load %arg1[%get3A_7, %get3A_8, %get3A_9] : memref<2x10240x128xf32, #tpu.memory_space<vmem>>, vector<1x10240x1xf32>
    %get3A_11 = vector.shape_cast %get3A_10 : vector<1x10240x1xf32> to vector<10240x1xf32>
    %add3A = arith.addf %get3A_6, %get3A_11 : vector<10240x1xf32>
    %add3A_12 = arith.constant 1.000000e+00 : f32
    %add3A_13 = vector.broadcast %add3A_12 : f32 to vector<10240x1xf32>
    %add3A_14 = arith.addf %add3A, %add3A_13 : vector<10240x1xf32>
    %rsqrt3A = math.rsqrt %add3A_14 : vector<10240x1xf32>
    %mul3A = vector.broadcast %rsqrt3A : vector<10240x1xf32> to vector<10240x128xf32>
    %mul3A_15 = arith.mulf %get3A_1, %mul3A : vector<10240x128xf32>
    %swap3A = arith.constant 0 : index
    %swap3A_16 = arith.constant 0 : index
    %swap3A_17 = vector.load %arg2[%swap3A, %swap3A_16] : memref<10240x128xf32, #tpu.memory_space<vmem>>, vector<10240x128xf32>
    tpu.vector_store %arg2[%swap3A, %swap3A_16], %mul3A_15 {strides = array<i32>} : memref<10240x128xf32, #tpu.memory_space<vmem>>, vector<10240x128xf32>,
    return
  }
}

module attributes {stable_mosaic.version = 14 : i64} {
  func.func @body(%arg0: memref<2x10240x128xf32, #tpu.memory_space<vmem>>, %arg1: memref<10240x128xf32, #tpu.memory_space<vmem>>, %arg2: memref<2x10240x128xf32, #tpu.memory_space<vmem>>, %arg3: memref<128x128xf32, #tpu.memory_space<vmem>>, %arg4: memref<1x128xf32, #tpu.memory_space<vmem>>, %arg5: memref<10240x128xf32, #tpu.memory_space<vmem>>) attributes {dimension_semantics = [], scalar_prefetch = 0 : i64, scratch_operands = 0 : i64, tpu.core_type = #tpu.core_type<tc>} {
    %get3A = arith.constant 0 : index
    %get3A_0 = arith.constant 0 : index
    %get3A_1 = arith.constant 0 : index
    %get3A_2 = vector.load %arg2[%get3A, %get3A_0, %get3A_1] : memref<2x10240x128xf32, #tpu.memory_space<vmem>>, vector<1x10240x1xf32>
    %get3A_3 = vector.shape_cast %get3A_2 : vector<1x10240x1xf32> to vector<10240x1xf32>
    %get3A_4 = arith.constant 1 : index
    %get3A_5 = arith.constant 0 : index
    %get3A_6 = arith.constant 0 : index
    %get3A_7 = vector.load %arg2[%get3A_4, %get3A_5, %get3A_6] : memref<2x10240x128xf32, #tpu.memory_space<vmem>>, vector<1x10240x1xf32>
    %get3A_8 = vector.shape_cast %get3A_7 : vector<1x10240x1xf32> to vector<10240x1xf32>
    %add3A = arith.addf %get3A_3, %get3A_8 : vector<10240x1xf32>
    %add3A_9 = arith.constant 1.000000e+00 : f32
    %add3A_10 = vector.broadcast %add3A_9 : f32 to vector<10240x1xf32>
    %add3A_11 = arith.addf %add3A, %add3A_10 : vector<10240x1xf32>
    %rsqrt3A = math.rsqrt %add3A_11 : vector<10240x1xf32>
    %get3A_12 = arith.constant 0 : index
    %get3A_13 = arith.constant 0 : index
    %get3A_14 = arith.constant 0 : index
    %get3A_15 = vector.load %arg0[%get3A_12, %get3A_13, %get3A_14] : memref<2x10240x128xf32, #tpu.memory_space<vmem>>, vector<1x10240x128xf32>
    %get3A_16 = vector.shape_cast %get3A_15 : vector<1x10240x128xf32> to vector<10240x128xf32>
    %get3A_17 = arith.constant 1 : index
    %get3A_18 = arith.constant 0 : index
    %get3A_19 = arith.constant 0 : index
    %get3A_20 = vector.load %arg0[%get3A_17, %get3A_18, %get3A_19] : memref<2x10240x128xf32, #tpu.memory_space<vmem>>, vector<1x10240x128xf32>
    %get3A_21 = vector.shape_cast %get3A_20 : vector<1x10240x128xf32> to vector<10240x128xf32>
    %add3A_22 = arith.addf %get3A_16, %get3A_21 : vector<10240x128xf32>
    %get3A_23 = arith.constant 0 : index
    %get3A_24 = arith.constant 0 : index
    %get3A_25 = vector.load %arg1[%get3A_23, %get3A_24] : memref<10240x128xf32, #tpu.memory_space<vmem>>, vector<10240x128xf32>
    %add3A_26 = arith.addf %add3A_22, %get3A_25 : vector<10240x128xf32>
    %mul3A = vector.broadcast %rsqrt3A : vector<10240x1xf32> to vector<10240x128xf32>
    %mul3A_27 = arith.mulf %add3A_26, %mul3A : vector<10240x128xf32>
    %get3A_28 = arith.constant 0 : index
    %get3A_29 = arith.constant 0 : index
    %get3A_30 = vector.load %arg4[%get3A_28, %get3A_29] : memref<1x128xf32, #tpu.memory_space<vmem>>, vector<1x128xf32>
    %add3A_31 = vector.broadcast %get3A_30 : vector<1x128xf32> to vector<10240x128xf32>
    %add3A_32 = arith.addf %mul3A_27, %add3A_31 : vector<10240x128xf32>
    %max3A = arith.constant 0.000000e+00 : f32
    %max3A_33 = vector.broadcast %max3A : f32 to vector<10240x128xf32>
    %max3A_34 = arith.maximumf %add3A_32, %max3A_33 : vector<10240x128xf32>
    %get3A_35 = arith.constant 0 : index
    %get3A_36 = arith.constant 0 : index
    %get3A_37 = vector.load %arg3[%get3A_35, %get3A_36] : memref<128x128xf32, #tpu.memory_space<vmem>>, vector<128x128xf32>
    %dot_general3A = arith.constant dense<0.000000e+00> : vector<10240x128xf32>
    %dot_general3A_38 = tpu.matmul %max3A_34, %get3A_37, %dot_general3A {dimension_numbers = #tpu.dot_dimension_numbers<[1], [0], [0], [1], [0, 0, 1, 1], [], []>, transpose_lhs_hint = false} : vector<10240x128xf32>, vector<128x128xf32>, vector<10240x128xf32> -> vector<10240x128xf32>
    %mul3A_39 = vector.broadcast %rsqrt3A : vector<10240x1xf32> to vector<10240x128xf32>
    %mul3A_40 = arith.mulf %dot_general3A_38, %mul3A_39 : vector<10240x128xf32>
    %swap3A = arith.constant 0 : index
    %swap3A_41 = arith.constant 0 : index
    %swap3A_42 = vector.load %arg5[%swap3A, %swap3A_41] : memref<10240x128xf32, #tpu.memory_space<vmem>>, vector<10240x128xf32>
    tpu.vector_store %arg5[%swap3A, %swap3A_41], %mul3A_40 {strides = array<i32>} : memref<10240x128xf32, #tpu.memory_space<vmem>>, vector<10240x128xf32>,
    return
  }
}

module attributes {stable_mosaic.version = 14 : i64} {
  func.func @body(%arg0: memref<2x10240x128xf32, #tpu.memory_space<vmem>>, %arg1: memref<10240x128xf32, #tpu.memory_space<vmem>>, %arg2: memref<2x10240x128xf32, #tpu.memory_space<vmem>>, %arg3: memref<1x128xf32, #tpu.memory_space<vmem>>, %arg4: memref<10240x128xf32, #tpu.memory_space<vmem>>) attributes {dimension_semantics = [], scalar_prefetch = 0 : i64, scratch_operands = 0 : i64, tpu.core_type = #tpu.core_type<tc>} {
    %get3A = arith.constant 0 : index
    %get3A_0 = arith.constant 0 : index
    %get3A_1 = arith.constant 0 : index
    %get3A_2 = vector.load %arg0[%get3A, %get3A_0, %get3A_1] : memref<2x10240x128xf32, #tpu.memory_space<vmem>>, vector<1x10240x128xf32>
    %get3A_3 = vector.shape_cast %get3A_2 : vector<1x10240x128xf32> to vector<10240x128xf32>
    %get3A_4 = arith.constant 1 : index
    %get3A_5 = arith.constant 0 : index
    %get3A_6 = arith.constant 0 : index
    %get3A_7 = vector.load %arg0[%get3A_4, %get3A_5, %get3A_6] : memref<2x10240x128xf32, #tpu.memory_space<vmem>>, vector<1x10240x128xf32>
    %get3A_8 = vector.shape_cast %get3A_7 : vector<1x10240x128xf32> to vector<10240x128xf32>
    %add3A = arith.addf %get3A_3, %get3A_8 : vector<10240x128xf32>
    %get3A_9 = arith.constant 0 : index
    %get3A_10 = arith.constant 0 : index
    %get3A_11 = vector.load %arg1[%get3A_9, %get3A_10] : memref<10240x128xf32, #tpu.memory_space<vmem>>, vector<10240x128xf32>
    %add3A_12 = arith.addf %add3A, %get3A_11 : vector<10240x128xf32>
    %get3A_13 = arith.constant 0 : index
    %get3A_14 = arith.constant 0 : index
    %get3A_15 = arith.constant 0 : index
    %get3A_16 = vector.load %arg2[%get3A_13, %get3A_14, %get3A_15] : memref<2x10240x128xf32, #tpu.memory_space<vmem>>, vector<1x10240x1xf32>
    %get3A_17 = vector.shape_cast %get3A_16 : vector<1x10240x1xf32> to vector<10240x1xf32>
    %get3A_18 = arith.constant 1 : index
    %get3A_19 = arith.constant 0 : index
    %get3A_20 = arith.constant 0 : index
    %get3A_21 = vector.load %arg2[%get3A_18, %get3A_19, %get3A_20] : memref<2x10240x128xf32, #tpu.memory_space<vmem>>, vector<1x10240x1xf32>
    %get3A_22 = vector.shape_cast %get3A_21 : vector<1x10240x1xf32> to vector<10240x1xf32>
    %add3A_23 = arith.addf %get3A_17, %get3A_22 : vector<10240x1xf32>
    %add3A_24 = arith.constant 1.000000e+00 : f32
    %add3A_25 = vector.broadcast %add3A_24 : f32 to vector<10240x1xf32>
    %add3A_26 = arith.addf %add3A_23, %add3A_25 : vector<10240x1xf32>
    %rsqrt3A = math.rsqrt %add3A_26 : vector<10240x1xf32>
    %mul3A = vector.broadcast %rsqrt3A : vector<10240x1xf32> to vector<10240x128xf32>
    %mul3A_27 = arith.mulf %add3A_12, %mul3A : vector<10240x128xf32>
    %get3A_28 = arith.constant 0 : index
    %get3A_29 = arith.constant 0 : index
    %get3A_30 = vector.load %arg3[%get3A_28, %get3A_29] : memref<1x128xf32, #tpu.memory_space<vmem>>, vector<1x128xf32>
    %add3A_31 = vector.broadcast %get3A_30 : vector<1x128xf32> to vector<10240x128xf32>
    %add3A_32 = arith.addf %mul3A_27, %add3A_31 : vector<10240x128xf32>
    %swap3A = arith.constant 0 : index
    %swap3A_33 = arith.constant 0 : index
    %swap3A_34 = vector.load %arg4[%swap3A, %swap3A_33] : memref<10240x128xf32, #tpu.memory_space<vmem>>, vector<10240x128xf32>
    tpu.vector_store %arg4[%swap3A, %swap3A_33], %add3A_32 {strides = array<i32>} : memref<10240x128xf32, #tpu.memory_space<vmem>>, vector<10240x128xf32>,
    return
  }
}

</mosaic_0001>

<sc_bundles>
// kernel: kernel.12.cloned.1.call-start
scs
__scs_entry_jumppad:
0x0: {  	(pc) =	sbr.rel $0x88, $3  }
0x1: {  	(tag) =	ssettag $0x0;
	lr =	simm.s32 $0x1  }
0x2: {  	[smem:$0x3F9B] =	sst lr;
	_ =	strace $0xD0000000  }
0x3: {  	_ = 	snop  }
0x4: {  	_ = 	snop  }
0x5: {  	_ = 	snop  }
0x6: {  	_ = 	snop  }
0x7: {  	_ = 	snop  }
__scs_overlays_trampoline_lowered:
0x8: {  	[smem:$0x3FAA] =	sst s0  }
0x9: {  	[smem:$0x3FAB] =	sst s1  }
0xa: {  	[smem:$0x3FAC] =	sst s2  }
0xb: {  	[smem:$0x3FAD] =	sst s3  }
0xc: {  	[smem:$0x3FAE] =	sst s4  }
0xd: {  	[smem:$0x3FAF] =	sst s5  }
0xe: {  	[smem:$0x3FB0] =	sst s6  }
0xf: {  	[smem:$0x3FB1] =	sst s7  }
0x10: {  	[smem:$0x3FB2] =	sst s8  }
0x11: {  	[smem:$0x3FB3] =	sst s9;
	s0 =	simm.s32 @!p0 $0x0  }
0x12: {  	s1 =	sld [smem:$0x3F99];
	s0 =	simm.s32 @p0 $0x1  }
0x13: {  	[smem:$0x3FB4] =	sst s0;
	s0 =	simm.s32 @!p1 $0x0  }
0x14: {  	s2 =	sld [smem:$0x3F98];
	s0 =	simm.s32 @p1 $0x1  }
0x15: {  	[smem:$0x3FB5] =	sst s0;
	s0 =	simm.s32 @!p2 $0x0  }
0x16: {  	s3 =	sld [smem:$0x3FDB];
	s0 =	simm.s32 @p2 $0x1  }
0x17: {  	s4 =	simm.s32 $0x1BF5;
	[smem:$0x3FB7] =	sst s0  }
0x18: {  	s0 =	sld [smem:$0x3F9A];
	_ =	swait.ge [sflag:s4], $0x0  }
0x19: {  	s7 =	sld [smem:$0x3F9B]  }
0x1a: {  	s8 =	sadd.s32 $0xFFFFE003, lr  }
0x1b: {  	s9 =	sadd.s32 $0xFFFFFEF7, lr;
	s5 =	simm.s32 $0xFFFFFFFF;
	p2 =	slt.u32 s8, $0xFFFFF086  }
0x1c: {  	p1 =	slt.u32 s9, $0xF7A;
	s5 =	simm.s32 @!p2 $0x0  }
0x1d: {  	s5 =	simm.s32 @p1 $0x1;
	p0 =	seq.s32 s7, s2  }
0x1e: {  	s7 =	smul.u32 @!p0 $0xF7A, s2;
	p2 =	seq.s32 @!p0 s5, $0x0  }
0x1f: {  	s9 =	smul.u32 $0xF7A, s1;
	s8 =	simm.s32 @!p0 $0x1BF5;
	p2 =	por !p2, p0  }
0x20: {  	[sflag:s8] =	ssyncset.s32 @!p0 $0xFFFFF086;
	s6 =	sadd.s32 @!p0 s3, s7;
	s7 =	simm.s32 @!p0 $0x108  }
0x21: {  	s3 =	sadd.s32 s3, s9;
	s6 =	sadd.s32 @!p0 $0x88, s6;
	s7 =	simm.s32 @p2 $0x1082  }
0x22: {  	[simem:s7], [sflag:s8] =	dma.local @!p0 [hbm:s6], $0xF7A  }
0x23: {  	s9 =	sor.u32 $0xD0000000, s2;
	s6 =	simm.s32 $0x108;
	_ =	swait.ge @!p0 [sflag:s8], $0x0  }
0x24: {  	s3 =	sadd.s32 $0x88, s3;
	s6 =	simm.s32 @!p1 $0x1082;
	[sflag:s4] =	ssyncset.s32 $0xFFFFF086  }
0x25: {  	[simem:s6], [sflag:s4] =	dma.local [hbm:s3], $0xF7A  }
0x26: {  	[smem:$0x3F9B] =	sst s1;
	(tag) =	ssettag s2;
	_ =	strace s9  }
0x27: {  	s1 =	sld [smem:$0x3FAB]  }
0x28: {  	s2 =	sld [smem:$0x3FAC]  }
0x29: {  	s4 =	sld [smem:$0x3FAE]  }
0x2a: {  	p0 =	seq.s32 s5, $0x0;
	s5 =	sld [smem:$0x3FAF]  }
0x2b: {  	s6 =	sld [smem:$0x3FB0]  }
0x2c: {  	s7 =	sld [smem:$0x3FB1]  }
0x2d: {  	s3 =	simm.s32 $0x108;
	s8 =	sld [smem:$0x3FB2]  }
0x2e: {  	s3 =	simm.s32 @!p0 $0x1082;
	s9 =	sld [smem:$0x3FB3]  }
0x2f: {  	lr =	sadd.s32 s0, s3;
	s0 =	sld [smem:$0x3FAA]  }
0x30: {  	s3 =	sld [smem:$0x3FAD]  }
0x31: {  	[smem:$0x3FB6] =	sst s10  }
0x32: {  	s10 =	sld [smem:$0x3FB4];
	_ =	sdelay $0x3  }
0x33: {  	p0 =	seq.s32 s10, $0x1;
	s10 =	sld [smem:$0x3FB6];
	_ =	sdelay $0x3  }
0x34: {  	[smem:$0x3FB6] =	sst s10  }
0x35: {  	s10 =	sld [smem:$0x3FB5];
	_ =	sdelay $0x3  }
0x36: {  	p1 =	seq.s32 s10, $0x1;
	s10 =	sld [smem:$0x3FB6];
	_ =	sdelay $0x3  }
0x37: {  	[smem:$0x3FB6] =	sst s10  }
0x38: {  	s10 =	sld [smem:$0x3FB7]  }
0x39: {  	_ = 	snop;
	(pc) =	sbr.ind lr, $3  }
0x3a: {  	_ = 	snop  }
0x3b: {  	_ = 	snop  }
0x3c: {  	p2 =	seq.s32 s10, $0x1;
	s10 =	sld [smem:$0x3FB6]  }
0x3d: {  	_ =	shalt  }
0x3e: {  	_ =	shalt  }
0x3f: {  	_ =	shalt  }
0x40: {  	_ =	shalt  }
0x41: {  	_ =	shalt  }
0x42: {  	_ =	shalt  }
0x43: {  	_ =	shalt  }
0x44: {  	_ =	shalt  }
0x45: {  	_ =	shalt  }
0x46: {  	_ =	shalt  }
0x47: {  	_ =	shalt  }
0x48: {  	_ =	shalt  }
0x49: {  	_ =	shalt  }
0x4a: {  	_ =	shalt  }
0x4b: {  	_ =	shalt  }
0x4c: {  	_ =	shalt  }
0x4d: {  	_ =	shalt  }
0x4e: {  	_ =	shalt  }
0x4f: {  	_ =	shalt  }
0x50: {  	_ =	shalt  }
0x51: {  	_ =	shalt  }
0x52: {  	_ =	shalt  }
0x53: {  	_ =	shalt  }
0x54: {  	_ =	shalt  }
0x55: {  	_ =	shalt  }
0x56: {  	_ =	shalt  }
0x57: {  	_ =	shalt  }
0x58: {  	_ =	shalt  }
0x59: {  	_ =	shalt  }
0x5a: {  	_ =	shalt  }
0x5b: {  	_ =	shalt  }
0x5c: {  	_ =	shalt  }
0x5d: {  	_ =	shalt  }
0x5e: {  	_ =	shalt  }
0x5f: {  	_ =	shalt  }
0x60: {  	_ =	shalt  }
0x61: {  	_ =	shalt  }
0x62: {  	_ =	shalt  }
0x63: {  	_ =	shalt  }
0x64: {  	_ =	shalt  }
0x65: {  	_ =	shalt  }
0x66: {  	_ =	shalt  }
0x67: {  	_ =	shalt  }
0x68: {  	_ =	shalt  }
0x69: {  	_ =	shalt  }
0x6a: {  	_ =	shalt  }
0x6b: {  	_ =	shalt  }
0x6c: {  	_ =	shalt  }
0x6d: {  	_ =	shalt  }
0x6e: {  	_ =	shalt  }
0x6f: {  	_ =	shalt  }
0x70: {  	_ =	shalt  }
0x71: {  	_ =	shalt  }
0x72: {  	_ =	shalt  }
0x73: {  	_ =	shalt  }
0x74: {  	_ =	shalt  }
0x75: {  	_ =	shalt  }
0x76: {  	_ =	shalt  }
0x77: {  	_ =	shalt  }
0x78: {  	_ =	shalt  }
0x79: {  	_ =	shalt  }
0x7a: {  	_ =	shalt  }
0x7b: {  	_ =	shalt  }
0x7c: {  	_ =	shalt  }
0x7d: {  	_ =	shalt  }
0x7e: {  	_ =	shalt  }
0x7f: {  	_ =	shalt  }
0x80: {  	_ =	shalt  }
0x81: {  	_ =	shalt  }
0x82: {  	_ =	shalt  }
0x83: {  	_ =	shalt  }
0x84: {  	_ =	shalt  }
0x85: {  	_ =	shalt  }
0x86: {  	_ =	shalt  }
0x87: {  	_ =	shalt  }
.Lfunc_end0:
.L_simem_size_0:
called_computation.1_lowered:
.L_overlay_start_0:
0x88: {  	s2 =	sld [smem:$0x3FD9]  }
0x89: {  	s3 =	sld [smem:$0x3FFE];
	_ =	sdelay $0x1  }
0x8a: {  	s1 =	srdreg.scid  }
0x8b: {  	s0 =	sand.u32 $0x1, s1  }
0x8c: {  	s16 =	sshll.u32 s0, $0xA;
	s2 =	sadd.s32 s3, s2  }
0x8d: {  	s2 =	sadd.s32 s2, s16  }
0x8e: {  	[smem:$0x3FC2] =	sst s2  }
0x8f: {  	_ = 	snop  }
0x90: {  	(tm) =	ssettm $0x1  }
0x91: {  	s17 =	sld [smem:$0x3FFB];
	_ =	sdelay $0x3  }
0x92: {  	_ =	strace s17  }
0x93: {  	s2 =	sld [smem:$0x3FFC];
	_ =	sdelay $0x3  }
0x94: {  	_ =	strace s2  }
0x95: {  	s2 =	sld [smem:$0x3FFD];
	_ =	sdelay $0x3  }
0x96: {  	_ =	strace s2  }
0x97: {  	_ =	strace $0x8FFFFFFF  }
0x98: {  	s18 =	sld [smem:$0x3FDB];
	_ =	sdelay $0x1  }
0x99: {  	s19 =	simm.s32 $_scs_section_size  }
0x9a: {  	s4 =	simm.s32 $_size__tile_overlayer_lowered;
	s5 =	simm.s32 $_tile_overlayer_lowered  }
0x9b: {  	s22 =	simm.s32 $0x1BFF;
	s21 =	sshll.u32 s5, $0x1;
	s2 =	sadd.s32 s19, s18  }
0x9c: {  	s6 =	simm.s32 $0x0;
	s20 =	sshll.u32 s4, $0x1;
	s4 =	sadd.s32 s21, s2  }
0x9d: {  	[timem:s6], [sflag:s22] =	dma.local [hbm:s4], s20  }
0x9e: {  	_ =	swait.ge [sflag:s22], s20  }
0x9f: {  	s3 =	ssub.s32 $0x0, s20;
	[sflag:s22] =	ssyncset.done $0x0  }
0xa0: {  	[sflag:s22] =	ssyncadd.s32 s3;
	_ =	sdelay $0x1  }
0xa1: {  	s23 =	simm.s32 $0x1B8B  }
0xa2: {  	_ =	swait.ge [sflag:s23], $0x1  }
0xa3: {  	[sflag:s23] =	ssyncset.done $0x0  }
0xa4: {  	s25 =	simm.s32 $0x1B8E;
	s24 =	sld [smem:$0x3FFE];
	[sflag:s23] =	ssyncadd.s32 $0xFFFFFFFF  }
0xa5: {  	s26 =	simm.s32 $execute0_lowered;
	[smem:$0x3FD2] =	sst s25  }
0xa6: {  	s4 =	sshll.u32 s26, $0x1;
	_ =	strace $0x80000049;
	[dreg:$0x1] =	wrdreg $0xFFFFFFFF  }
0xa7: {  	s28 =	simm.s32 $_size_execute0_lowered;
	s2 =	sadd.s32 s2, s4;
	[dreg:$0x0] =	wrdreg $0x0  }
0xa8: {  	s4 =	sshll.u32 s28, $0x1;
	[dreg:$0x2] =	wrdreg s2  }
0xa9: {  	[dreg:$0x3] =	wrdreg s4  }
0xaa: {  	[dreg:$0x4] =	wrdreg $0xC0  }
0xab: {  	_ =	task [dreg:s6], $0x5FFFF  }
0xac: {  	[dreg:$0x1] =	wrdreg $0xFFFFFFFF  }
0xad: {  	[dreg:$0x0] =	wrdreg $0x60  }
0xae: {  	[dreg:$0x2] =	wrdreg s24  }
0xaf: {  	[dreg:$0x3] =	wrdreg $0x77000  }
0xb0: {  	[dreg:$0x4] =	wrdreg $0x9  }
0xb1: {  	_ =	task.clear_ibuf [dreg:s6], $0x5FFFF;
	_ =	strace $0x90000049  }
0xb2: {  	s29 =	simm.s32 $0x9;
	_ =	strace $0x8000004B  }
0xb3: {  	_ =	swait.ge [sflag:s29], $0x1  }
0xb4: {  	[sflag:s29] =	ssyncadd.s32 $0xFFFFFFFF  }
0xb5: {  	_ =	strace $0x9000004B  }
0xb6: {  	_ =	sfence  }
0xb7: {  	s30 =	sld [smem:$0x0];
	_ =	sdelay $0x2  }
0xb8: {  	s31 =	sshll.u32 s1, $0xD;
	s1 =	sshrl.u32 s1, $0x2  }
0xb9: {  	s3 =	sand.u32 $0x4000, s31;
	s1 =	sadd.s32 s1, s30  }
0xba: {  	s0 =	sor.u32 s3, s0;
	s1 =	sshll.u32 s1, $0x11  }
0xbb: {  	s0 =	sor.u32 s1, s0  }
0xbc: {  	s0 =	sadd.s32 $0x8F2B, s0  }
0xbd: {  	[sflag:s0] =	ssyncadd.remote.s32 $0x1  }
0xbe: {  	_ =	sfence.sel $0xFFFF  }
0xbf: {  	[dreg:$0x0] =	wrdreg $0xFFFFFFFF;
	(pc) =	sbr.abs _section_cstart, $3  }
0xc0: {  	[dreg:$0x1] =	wrdreg $0xFFFFFFFF  }
0xc1: {  	_ =	task.clear_ibuf [dreg:s6], $0x2FFFF;
	_ =	strace $0x9FFFFFFF  }
0xc2: {  	(tm) =	ssettm $0x7FFFFFFF  }
0xc3: {  	_ =	shalt  }
tec
execute0_lowered:
.L_overlay_start_1:
0x0: {  	(tag) =	ssettag $0x1  }
0x1: {  	s0 =	srdreg.scid;
	s6 =	rddreg [dreg:$0x0]  }
0x2: {  	s2 =	rddreg [dreg:$0x1];
	s3 =	simm.s32 $0x0;
	s14 =	simm.s32 $0x50  }
0x3: {  	s15 =	simm.s32 $0x4F00;
	s5 =	sand.u32 $0x1, s0;
	s0 =	stileid.u32  }
0x4: {  	s16 =	simm.s32 $0x0;
	[smem:$0x7FF] =	sst s3;
	s8 =	smul.u32 $0x140000, s5  }
0x5: {  	s4 =	sadd.s32 $0x69600, s6;
	s1 =	sshll.u32 s5, $0x4;
	s9 =	smul.u32 $0x14000, s0  }
0x6: {  	s26 =	ssub.s32 $0x2, s5;
	s28 =	smul.u32 $0x50000, s0;
	s5 =	sadd.s32 $0x16E00, s6  }
0x7: {  	s31 =	sshll.u32 s0, $0x6;
	s1 =	sor.u32 s0, s1;
	s29 =	sshrl.u32 s26, $0x1  }
0x8: {  	s7 =	smul.u32 $0x4E2, s1;
	s1 =	rddreg [dreg:$0x2];
	_ =	strace $0x8000004A  }
0x9: {  	s25 =	sadd.s32 s9, s8;
	s12 =	ssub.s32 s26, s29;
	s30 =	sshrl.u32 s28, $0x2  }
0xa: {  	s13 =	sadd.s32 s30, s2;
	s10 =	sadd.s32 s7, s6;
	s7 =	sshrl.u32 s25, $0x3  }
0xb: {  	s11 =	sadd.s32 s7, s6;
	s6 =	sor.u32 $0x1C01, s31;
	s7 =	sadd.s32 $0x2A00, s10  }
0xc: {  	s8 =	sadd.s32 $0xC800, s10;
	s10 =	smax.u32 s12, $0x1;
	s12 =	simm.s32 $0x1  }
0xd: {  	s9 =	sadd.s32 $0x91600, s11;
	s11 =	sshrl.u32 s13, $0x3;
	s13 =	simm.s32 $0x2780  }
.LBB2_1:
0xe: {  	[spmem:s11], [sflag:s6] =	dma.local [hbm:s5], $0x2800  }
0xf: {  	_ =	swait.ge [sflag:s12], $0x2800  }
0x10: {  	[sflag:s12] =	ssyncset.done $0x0  }
0x11: {  	[sflag:s12] =	ssyncadd.s32 $0xFFFFD800  }
0x12: {  	[tilespmem:s3], [sflag:$0x1] =	stream.linear.gather [hbm4b:s7+s3], $0x2710, $0x38;
	[tilespmem:$0x1B700] =	vst v63  }
0x13: {  	_ =	swait.ge [sflag:s12], $0x2710  }
0x14: {  	[sflag:s12] =	ssyncset.done $0x0  }
0x15: {  	[sflag:s12] =	ssyncadd.s32 $0xFFFFD8F0  }
0x16: {  	[tilespmem:s13], [sflag:$0x1] =	stream.linear.gather [hbm4b:s8+s3], $0x2710, $0x38;
	[tilespmem:$0x1B700] =	vst v63  }
0x17: {  	_ =	swait.ge [sflag:s12], $0x2710  }
0x18: {  	[sflag:s12] =	ssyncset.done $0x0  }
0x19: {  	[sflag:s12] =	ssyncadd.s32 $0xFFFFD8F0  }
0x1a: {  	s17 =	simm.s32 $0x0;
	[bflag:$0x0] =	sbarrier.arrive $0xFFFF  }
0x1b: {  	[tilespmem:s15], [sflag:$0x1] =	stream.indirect.gather [hbm4b:s4+s14], $0x80, s17, s14, $0xb8;
	[tilespmem:$0x1B700] =	vst v63  }
0x1c: {  	_ =	swait.ge [sflag:s12], $0x2800  }
0x1d: {  	[sflag:s12] =	ssyncset.done $0x0  }
0x1e: {  	s31 =	simm.s32 $0x2780;
	[sflag:s12] =	ssyncadd.s32 $0xFFFFD800  }
0x1f: {  	[spmem:s2] =	stream.indirect.scatter.add.f32 [tilespmem:s15], [sflag:$0x1], $0x80, s31, s14, $0xb8;
	[tilespmem:$0x1B700] =	vst v63  }
0x20: {  	_ =	swait.ge [sflag:s12], $0x2800  }
0x21: {  	s18 =	simm.s32 $0x280;
	s17 =	simm.s32 $0x140;
	[sflag:s12] =	ssyncset.done $0x0  }
.LBB2_2:
0x22: {  	s19 =	sshra.s32 s17, $0x2  }
0x23: {  	[sflag:s12] =	ssyncadd.s32 $0xFFFFD800;
	s17 =	smov.u32 s18;
	s20 =	sadd.s32 $0x140, s18  }
0x24: {  	[tilespmem:s15], [sflag:$0x1] =	stream.indirect.gather [hbm4b:s4+s14], $0x80, s19, s14, $0xb8;
	[tilespmem:$0x1B700] =	vst v63  }
0x25: {  	p0 =	sne.s32 s18, $0x9B00;
	_ =	swait.ge [sflag:s12], $0x2800  }
.Ltmp0:
0x26: {  	[sflag:s12] =	ssyncset.done $0x0;
	(pc) =	sbr.rel @p0 .LBB2_2-.Ltmp0, $4  }
0x27: {  	s18 =	sadd.s32 $0x2780, s19;
	[sflag:s12] =	ssyncadd.s32 $0xFFFFD800  }
0x28: {  	[spmem:s2] =	stream.indirect.scatter.add.f32 [tilespmem:s15], [sflag:$0x1], $0x80, s18, s14, $0xb8;
	[tilespmem:$0x1B700] =	vst v63  }
0x29: {  	_ =	swait.ge [sflag:s12], $0x2800  }
0x2a: {  	s18 =	smov.u32 s20;
	[sflag:s12] =	ssyncset.done $0x0  }
0x2b: {  	s17 =	sshra.s32 s17, $0x2;
	[sflag:s12] =	ssyncadd.s32 $0xFFFFD800  }
0x2c: {  	[tilespmem:s15], [sflag:$0x1] =	stream.indirect.gather [hbm4b:s4+s14], $0x80, s17, s14, $0xb8;
	[tilespmem:$0x1B700] =	vst v63  }
0x2d: {  	_ =	swait.ge [sflag:s12], $0x2800  }
0x2e: {  	[sflag:s12] =	ssyncset.done $0x0  }
0x2f: {  	s17 =	sadd.s32 $0x2780, s17;
	[sflag:s12] =	ssyncadd.s32 $0xFFFFD800  }
0x30: {  	[spmem:s2] =	stream.indirect.scatter.add.f32 [tilespmem:s15], [sflag:$0x1], $0x80, s17, s14, $0xb8;
	[tilespmem:$0x1B700] =	vst v63  }
0x31: {  	_ =	swait.ge [sflag:s12], $0x2800  }
0x32: {  	s16 =	sadd.s32 $0x1, s16;
	[sflag:s12] =	ssyncset.done $0x0  }
0x33: {  	p0 =	sne.s32 s16, s10;
	[sflag:s12] =	ssyncadd.s32 $0xFFFFD800  }
.Ltmp1:
0x34: {  	[bflag:$0x0] =	sbarrier.arrive $0xFFFF;
	(pc) =	sbr.rel @p0 .LBB2_1-.Ltmp1, $4  }
0x35: {  	[hbm:s9], [sflag:s6] =	dma.local [spmem:s11], $0x2800  }
0x36: {  	_ =	swait.ge [sflag:s12], $0x2800  }
0x37: {  	[sflag:s12] =	ssyncset.done $0x0  }
0x38: {  	[sflag:s12] =	ssyncadd.s32 $0xFFFFD800  }
0x39: {  	_ =	sfence.sel $0x180000  }
0x3a: {  	[bflag:$0x0] =	sbarrier.arrive $0xFFFF  }
0x3b: {  	p0 =	sne.s32 s0, $0x0;
	_ =	strace $0x9000004A  }
0x3c: {  	s0 =	sadd.s32 @!p0 $0x100000, s1;
	[bflag:$0x2] =	sbarrier.arrive $0xFFFF  }
0x3d: {  	[sflag:s0] =	ssyncadd.tile.s32 @!p0 $0x1;
	_ =	shalt  }
.Lfunc_end2:
_tile_overlayer_lowered:
.L_overlay_start_2:
0x3e: {  	(tag) =	ssettag $0x2  }
0x3f: {  	s0 =	rddreg [dreg:$0x0];
	s2 =	stileid.u32  }
0x40: {  	s1 =	rddreg [dreg:$0x1];
	p0 =	sne.s32 s2, $0x0  }
0x41: {  	s3 =	rddreg [dreg:$0x2];
	[bflag:$0x3] =	sbarrier.arrive $0xFFFF;
	s2 =	simm.s32 @!p0 $0x1C01  }
0x42: {  	[timem:s3], [sflag:s2] =	dma.local @!p0 [hbm:s0], s1  }
0x43: {  	s0 =	simm.s32 @!p0 $0x1  }
0x44: {  	_ =	swait.ge @!p0 [sflag:s0], s1  }
0x45: {  	s1 =	ssub.s32 @!p0 $0x0, s1;
	[sflag:s0] =	ssyncset.done @!p0 $0x0  }
0x46: {  	[sflag:s0] =	ssyncadd.s32 @!p0 s1  }
0x47: {  	[bflag:$0x3] =	sbarrier.arrive $0xFFFF  }
0x48: {  	_ =	shalt  }

// kernel: kernel.15.cloned.1.call-start
scs
__scs_entry_jumppad:
0x0: {  	(pc) =	sbr.rel $0x88, $3  }
0x1: {  	(tag) =	ssettag $0x0;
	lr =	simm.s32 $0x1  }
0x2: {  	[smem:$0x3F9B] =	sst lr;
	_ =	strace $0xD0000000  }
0x3: {  	_ = 	snop  }
0x4: {  	_ = 	snop  }
0x5: {  	_ = 	snop  }
0x6: {  	_ = 	snop  }
0x7: {  	_ = 	snop  }
__scs_overlays_trampoline_lowered:
0x8: {  	[smem:$0x3FAA] =	sst s0  }
0x9: {  	[smem:$0x3FAB] =	sst s1  }
0xa: {  	[smem:$0x3FAC] =	sst s2  }
0xb: {  	[smem:$0x3FAD] =	sst s3  }
0xc: {  	[smem:$0x3FAE] =	sst s4  }
0xd: {  	[smem:$0x3FAF] =	sst s5  }
0xe: {  	[smem:$0x3FB0] =	sst s6  }
0xf: {  	[smem:$0x3FB1] =	sst s7  }
0x10: {  	[smem:$0x3FB2] =	sst s8  }
0x11: {  	[smem:$0x3FB3] =	sst s9;
	s0 =	simm.s32 @!p0 $0x0  }
0x12: {  	s1 =	sld [smem:$0x3F99];
	s0 =	simm.s32 @p0 $0x1  }
0x13: {  	[smem:$0x3FB4] =	sst s0;
	s0 =	simm.s32 @!p1 $0x0  }
0x14: {  	s2 =	sld [smem:$0x3F98];
	s0 =	simm.s32 @p1 $0x1  }
0x15: {  	[smem:$0x3FB5] =	sst s0;
	s0 =	simm.s32 @!p2 $0x0  }
0x16: {  	s3 =	sld [smem:$0x3FDB];
	s0 =	simm.s32 @p2 $0x1  }
0x17: {  	s4 =	simm.s32 $0x1BF5;
	[smem:$0x3FB7] =	sst s0  }
0x18: {  	s0 =	sld [smem:$0x3F9A];
	_ =	swait.ge [sflag:s4], $0x0  }
0x19: {  	s7 =	sld [smem:$0x3F9B]  }
0x1a: {  	s8 =	sadd.s32 $0xFFFFE003, lr  }
0x1b: {  	s9 =	sadd.s32 $0xFFFFFEF7, lr;
	s5 =	simm.s32 $0xFFFFFFFF;
	p2 =	slt.u32 s8, $0xFFFFF086  }
0x1c: {  	p1 =	slt.u32 s9, $0xF7A;
	s5 =	simm.s32 @!p2 $0x0  }
0x1d: {  	s5 =	simm.s32 @p1 $0x1;
	p0 =	seq.s32 s7, s2  }
0x1e: {  	s7 =	smul.u32 @!p0 $0xF7A, s2;
	p2 =	seq.s32 @!p0 s5, $0x0  }
0x1f: {  	s9 =	smul.u32 $0xF7A, s1;
	s8 =	simm.s32 @!p0 $0x1BF5;
	p2 =	por !p2, p0  }
0x20: {  	[sflag:s8] =	ssyncset.s32 @!p0 $0xFFFFF086;
	s6 =	sadd.s32 @!p0 s3, s7;
	s7 =	simm.s32 @!p0 $0x108  }
0x21: {  	s3 =	sadd.s32 s3, s9;
	s6 =	sadd.s32 @!p0 $0x88, s6;
	s7 =	simm.s32 @p2 $0x1082  }
0x22: {  	[simem:s7], [sflag:s8] =	dma.local @!p0 [hbm:s6], $0xF7A  }
0x23: {  	s9 =	sor.u32 $0xD0000000, s2;
	s6 =	simm.s32 $0x108;
	_ =	swait.ge @!p0 [sflag:s8], $0x0  }
0x24: {  	s3 =	sadd.s32 $0x88, s3;
	s6 =	simm.s32 @!p1 $0x1082;
	[sflag:s4] =	ssyncset.s32 $0xFFFFF086  }
0x25: {  	[simem:s6], [sflag:s4] =	dma.local [hbm:s3], $0xF7A  }
0x26: {  	[smem:$0x3F9B] =	sst s1;
	(tag) =	ssettag s2;
	_ =	strace s9  }
0x27: {  	s1 =	sld [smem:$0x3FAB]  }
0x28: {  	s2 =	sld [smem:$0x3FAC]  }
0x29: {  	s4 =	sld [smem:$0x3FAE]  }
0x2a: {  	p0 =	seq.s32 s5, $0x0;
	s5 =	sld [smem:$0x3FAF]  }
0x2b: {  	s6 =	sld [smem:$0x3FB0]  }
0x2c: {  	s7 =	sld [smem:$0x3FB1]  }
0x2d: {  	s3 =	simm.s32 $0x108;
	s8 =	sld [smem:$0x3FB2]  }
0x2e: {  	s3 =	simm.s32 @!p0 $0x1082;
	s9 =	sld [smem:$0x3FB3]  }
0x2f: {  	lr =	sadd.s32 s0, s3;
	s0 =	sld [smem:$0x3FAA]  }
0x30: {  	s3 =	sld [smem:$0x3FAD]  }
0x31: {  	[smem:$0x3FB6] =	sst s10  }
0x32: {  	s10 =	sld [smem:$0x3FB4];
	_ =	sdelay $0x3  }
0x33: {  	p0 =	seq.s32 s10, $0x1;
	s10 =	sld [smem:$0x3FB6];
	_ =	sdelay $0x3  }
0x34: {  	[smem:$0x3FB6] =	sst s10  }
0x35: {  	s10 =	sld [smem:$0x3FB5];
	_ =	sdelay $0x3  }
0x36: {  	p1 =	seq.s32 s10, $0x1;
	s10 =	sld [smem:$0x3FB6];
	_ =	sdelay $0x3  }
0x37: {  	[smem:$0x3FB6] =	sst s10  }
0x38: {  	s10 =	sld [smem:$0x3FB7]  }
0x39: {  	_ = 	snop;
	(pc) =	sbr.ind lr, $3  }
0x3a: {  	_ = 	snop  }
0x3b: {  	_ = 	snop  }
0x3c: {  	p2 =	seq.s32 s10, $0x1;
	s10 =	sld [smem:$0x3FB6]  }
0x3d: {  	_ =	shalt  }
0x3e: {  	_ =	shalt  }
0x3f: {  	_ =	shalt  }
0x40: {  	_ =	shalt  }
0x41: {  	_ =	shalt  }
0x42: {  	_ =	shalt  }
0x43: {  	_ =	shalt  }
0x44: {  	_ =	shalt  }
0x45: {  	_ =	shalt  }
0x46: {  	_ =	shalt  }
0x47: {  	_ =	shalt  }
0x48: {  	_ =	shalt  }
0x49: {  	_ =	shalt  }
0x4a: {  	_ =	shalt  }
0x4b: {  	_ =	shalt  }
0x4c: {  	_ =	shalt  }
0x4d: {  	_ =	shalt  }
0x4e: {  	_ =	shalt  }
0x4f: {  	_ =	shalt  }
0x50: {  	_ =	shalt  }
0x51: {  	_ =	shalt  }
0x52: {  	_ =	shalt  }
0x53: {  	_ =	shalt  }
0x54: {  	_ =	shalt  }
0x55: {  	_ =	shalt  }
0x56: {  	_ =	shalt  }
0x57: {  	_ =	shalt  }
0x58: {  	_ =	shalt  }
0x59: {  	_ =	shalt  }
0x5a: {  	_ =	shalt  }
0x5b: {  	_ =	shalt  }
0x5c: {  	_ =	shalt  }
0x5d: {  	_ =	shalt  }
0x5e: {  	_ =	shalt  }
0x5f: {  	_ =	shalt  }
0x60: {  	_ =	shalt  }
0x61: {  	_ =	shalt  }
0x62: {  	_ =	shalt  }
0x63: {  	_ =	shalt  }
0x64: {  	_ =	shalt  }
0x65: {  	_ =	shalt  }
0x66: {  	_ =	shalt  }
0x67: {  	_ =	shalt  }
0x68: {  	_ =	shalt  }
0x69: {  	_ =	shalt  }
0x6a: {  	_ =	shalt  }
0x6b: {  	_ =	shalt  }
0x6c: {  	_ =	shalt  }
0x6d: {  	_ =	shalt  }
0x6e: {  	_ =	shalt  }
0x6f: {  	_ =	shalt  }
0x70: {  	_ =	shalt  }
0x71: {  	_ =	shalt  }
0x72: {  	_ =	shalt  }
0x73: {  	_ =	shalt  }
0x74: {  	_ =	shalt  }
0x75: {  	_ =	shalt  }
0x76: {  	_ =	shalt  }
0x77: {  	_ =	shalt  }
0x78: {  	_ =	shalt  }
0x79: {  	_ =	shalt  }
0x7a: {  	_ =	shalt  }
0x7b: {  	_ =	shalt  }
0x7c: {  	_ =	shalt  }
0x7d: {  	_ =	shalt  }
0x7e: {  	_ =	shalt  }
0x7f: {  	_ =	shalt  }
0x80: {  	_ =	shalt  }
0x81: {  	_ =	shalt  }
0x82: {  	_ =	shalt  }
0x83: {  	_ =	shalt  }
0x84: {  	_ =	shalt  }
0x85: {  	_ =	shalt  }
0x86: {  	_ =	shalt  }
0x87: {  	_ =	shalt  }
.Lfunc_end0:
.L_simem_size_0:
called_computation.2_lowered:
.L_overlay_start_0:
0x88: {  	s2 =	sld [smem:$0x3FD9]  }
0x89: {  	s3 =	sld [smem:$0x3FFE];
	_ =	sdelay $0x1  }
0x8a: {  	s1 =	srdreg.scid  }
0x8b: {  	s0 =	sand.u32 $0x1, s1  }
0x8c: {  	s16 =	sshll.u32 s0, $0xA;
	s2 =	sadd.s32 s3, s2  }
0x8d: {  	s2 =	sadd.s32 s2, s16  }
0x8e: {  	[smem:$0x3FC2] =	sst s2  }
0x8f: {  	_ = 	snop  }
0x90: {  	(tm) =	ssettm $0x1  }
0x91: {  	s17 =	sld [smem:$0x3FFB];
	_ =	sdelay $0x3  }
0x92: {  	_ =	strace s17  }
0x93: {  	s2 =	sld [smem:$0x3FFC];
	_ =	sdelay $0x3  }
0x94: {  	_ =	strace s2  }
0x95: {  	s2 =	sld [smem:$0x3FFD];
	_ =	sdelay $0x3  }
0x96: {  	_ =	strace s2  }
0x97: {  	_ =	strace $0x8FFFFFFF  }
0x98: {  	s18 =	sld [smem:$0x3FDB];
	_ =	sdelay $0x1  }
0x99: {  	s19 =	simm.s32 $_scs_section_size  }
0x9a: {  	s4 =	simm.s32 $_size__tile_overlayer_lowered;
	s5 =	simm.s32 $_tile_overlayer_lowered  }
0x9b: {  	s22 =	simm.s32 $0x1BFF;
	s21 =	sshll.u32 s5, $0x1;
	s2 =	sadd.s32 s19, s18  }
0x9c: {  	s6 =	simm.s32 $0x0;
	s20 =	sshll.u32 s4, $0x1;
	s4 =	sadd.s32 s21, s2  }
0x9d: {  	[timem:s6], [sflag:s22] =	dma.local [hbm:s4], s20  }
0x9e: {  	_ =	swait.ge [sflag:s22], s20  }
0x9f: {  	s3 =	ssub.s32 $0x0, s20;
	[sflag:s22] =	ssyncset.done $0x0  }
0xa0: {  	[sflag:s22] =	ssyncadd.s32 s3;
	_ =	sdelay $0x1  }
0xa1: {  	s23 =	simm.s32 $0x1B8B  }
0xa2: {  	_ =	swait.ge [sflag:s23], $0x1  }
0xa3: {  	[sflag:s23] =	ssyncset.done $0x0  }
0xa4: {  	s25 =	simm.s32 $0x1B8E;
	s24 =	sld [smem:$0x3FFE];
	[sflag:s23] =	ssyncadd.s32 $0xFFFFFFFF  }
0xa5: {  	s26 =	simm.s32 $execute0_lowered;
	[smem:$0x3FD2] =	sst s25  }
0xa6: {  	s4 =	sshll.u32 s26, $0x1;
	_ =	strace $0x8000004C;
	[dreg:$0x1] =	wrdreg $0xFFFFFFFF  }
0xa7: {  	s28 =	simm.s32 $_size_execute0_lowered;
	s2 =	sadd.s32 s2, s4;
	[dreg:$0x0] =	wrdreg $0x0  }
0xa8: {  	s4 =	sshll.u32 s28, $0x1;
	[dreg:$0x2] =	wrdreg s2  }
0xa9: {  	[dreg:$0x3] =	wrdreg s4  }
0xaa: {  	[dreg:$0x4] =	wrdreg $0xC0  }
0xab: {  	_ =	task [dreg:s6], $0x5FFFF  }
0xac: {  	[dreg:$0x1] =	wrdreg $0xFFFFFFFF  }
0xad: {  	[dreg:$0x0] =	wrdreg $0x60  }
0xae: {  	[dreg:$0x2] =	wrdreg s24  }
0xaf: {  	[dreg:$0x3] =	wrdreg $0x77000  }
0xb0: {  	[dreg:$0x4] =	wrdreg $0x9  }
0xb1: {  	_ =	task.clear_ibuf [dreg:s6], $0x5FFFF;
	_ =	strace $0x9000004C  }
0xb2: {  	s29 =	simm.s32 $0x9;
	_ =	strace $0x8000004E  }
0xb3: {  	_ =	swait.ge [sflag:s29], $0x1  }
0xb4: {  	[sflag:s29] =	ssyncadd.s32 $0xFFFFFFFF  }
0xb5: {  	_ =	strace $0x9000004E  }
0xb6: {  	_ =	sfence  }
0xb7: {  	s30 =	sld [smem:$0x0];
	_ =	sdelay $0x2  }
0xb8: {  	s31 =	sshll.u32 s1, $0xD;
	s1 =	sshrl.u32 s1, $0x2  }
0xb9: {  	s3 =	sand.u32 $0x4000, s31;
	s1 =	sadd.s32 s1, s30  }
0xba: {  	s0 =	sor.u32 s3, s0;
	s1 =	sshll.u32 s1, $0x11  }
0xbb: {  	s0 =	sor.u32 s1, s0  }
0xbc: {  	s0 =	sadd.s32 $0x8F2B, s0  }
0xbd: {  	[sflag:s0] =	ssyncadd.remote.s32 $0x1  }
0xbe: {  	_ =	sfence.sel $0xFFFF  }
0xbf: {  	[dreg:$0x0] =	wrdreg $0xFFFFFFFF;
	(pc) =	sbr.abs _section_cstart, $3  }
0xc0: {  	[dreg:$0x1] =	wrdreg $0xFFFFFFFF  }
0xc1: {  	_ =	task.clear_ibuf [dreg:s6], $0x2FFFF;
	_ =	strace $0x9FFFFFFF  }
0xc2: {  	(tm) =	ssettm $0x7FFFFFFF  }
0xc3: {  	_ =	shalt  }
tec
execute0_lowered:
.L_overlay_start_1:
0x0: {  	(tag) =	ssettag $0x1  }
0x1: {  	s0 =	srdreg.scid;
	s6 =	rddreg [dreg:$0x0]  }
0x2: {  	s2 =	rddreg [dreg:$0x1];
	s3 =	simm.s32 $0x0;
	s14 =	simm.s32 $0x50  }
0x3: {  	s15 =	simm.s32 $0x4F00;
	s5 =	sand.u32 $0x1, s0;
	s0 =	stileid.u32  }
0x4: {  	s16 =	simm.s32 $0x0;
	[smem:$0x7FF] =	sst s3;
	s8 =	smul.u32 $0x140000, s5  }
0x5: {  	s4 =	sadd.s32 $0x69600, s6;
	s1 =	sshll.u32 s5, $0x4;
	s9 =	smul.u32 $0x14000, s0  }
0x6: {  	s26 =	ssub.s32 $0x2, s5;
	s28 =	smul.u32 $0x50000, s0;
	s5 =	sadd.s32 $0x16E00, s6  }
0x7: {  	s31 =	sshll.u32 s0, $0x6;
	s1 =	sor.u32 s0, s1;
	s29 =	sshrl.u32 s26, $0x1  }
0x8: {  	s7 =	smul.u32 $0x4E2, s1;
	s1 =	rddreg [dreg:$0x2];
	_ =	strace $0x8000004D  }
0x9: {  	s25 =	sadd.s32 s9, s8;
	s12 =	ssub.s32 s26, s29;
	s30 =	sshrl.u32 s28, $0x2  }
0xa: {  	s13 =	sadd.s32 s30, s2;
	s10 =	sadd.s32 s7, s6;
	s7 =	sshrl.u32 s25, $0x3  }
0xb: {  	s11 =	sadd.s32 s7, s6;
	s6 =	sor.u32 $0x1C01, s31;
	s7 =	sadd.s32 $0x2A00, s10  }
0xc: {  	s8 =	sadd.s32 $0xC800, s10;
	s10 =	smax.u32 s12, $0x1;
	s12 =	simm.s32 $0x1  }
0xd: {  	s9 =	sadd.s32 $0x91600, s11;
	s11 =	sshrl.u32 s13, $0x3;
	s13 =	simm.s32 $0x2780  }
.LBB2_1:
0xe: {  	[spmem:s11], [sflag:s6] =	dma.local [hbm:s5], $0x2800  }
0xf: {  	_ =	swait.ge [sflag:s12], $0x2800  }
0x10: {  	[sflag:s12] =	ssyncset.done $0x0  }
0x11: {  	[sflag:s12] =	ssyncadd.s32 $0xFFFFD800  }
0x12: {  	[tilespmem:s3], [sflag:$0x1] =	stream.linear.gather [hbm4b:s7+s3], $0x2710, $0x38;
	[tilespmem:$0x1B700] =	vst v63  }
0x13: {  	_ =	swait.ge [sflag:s12], $0x2710  }
0x14: {  	[sflag:s12] =	ssyncset.done $0x0  }
0x15: {  	[sflag:s12] =	ssyncadd.s32 $0xFFFFD8F0  }
0x16: {  	[tilespmem:s13], [sflag:$0x1] =	stream.linear.gather [hbm4b:s8+s3], $0x2710, $0x38;
	[tilespmem:$0x1B700] =	vst v63  }
0x17: {  	_ =	swait.ge [sflag:s12], $0x2710  }
0x18: {  	[sflag:s12] =	ssyncset.done $0x0  }
0x19: {  	[sflag:s12] =	ssyncadd.s32 $0xFFFFD8F0  }
0x1a: {  	s17 =	simm.s32 $0x0;
	[bflag:$0x0] =	sbarrier.arrive $0xFFFF  }
0x1b: {  	[tilespmem:s15], [sflag:$0x1] =	stream.indirect.gather [hbm4b:s4+s14], $0x80, s17, s14, $0xb8;
	[tilespmem:$0x1B700] =	vst v63  }
0x1c: {  	_ =	swait.ge [sflag:s12], $0x2800  }
0x1d: {  	[sflag:s12] =	ssyncset.done $0x0  }
0x1e: {  	s31 =	simm.s32 $0x2780;
	[sflag:s12] =	ssyncadd.s32 $0xFFFFD800  }
0x1f: {  	[spmem:s2] =	stream.indirect.scatter.add.f32 [tilespmem:s15], [sflag:$0x1], $0x80, s31, s14, $0xb8;
	[tilespmem:$0x1B700] =	vst v63  }
0x20: {  	_ =	swait.ge [sflag:s12], $0x2800  }
0x21: {  	s18 =	simm.s32 $0x280;
	s17 =	simm.s32 $0x140;
	[sflag:s12] =	ssyncset.done $0x0  }
.LBB2_2:
0x22: {  	s19 =	sshra.s32 s17, $0x2  }
0x23: {  	[sflag:s12] =	ssyncadd.s32 $0xFFFFD800;
	s17 =	smov.u32 s18;
	s20 =	sadd.s32 $0x140, s18  }
0x24: {  	[tilespmem:s15], [sflag:$0x1] =	stream.indirect.gather [hbm4b:s4+s14], $0x80, s19, s14, $0xb8;
	[tilespmem:$0x1B700] =	vst v63  }
0x25: {  	p0 =	sne.s32 s18, $0x9B00;
	_ =	swait.ge [sflag:s12], $0x2800  }
.Ltmp0:
0x26: {  	[sflag:s12] =	ssyncset.done $0x0;
	(pc) =	sbr.rel @p0 .LBB2_2-.Ltmp0, $4  }
0x27: {  	s18 =	sadd.s32 $0x2780, s19;
	[sflag:s12] =	ssyncadd.s32 $0xFFFFD800  }
0x28: {  	[spmem:s2] =	stream.indirect.scatter.add.f32 [tilespmem:s15], [sflag:$0x1], $0x80, s18, s14, $0xb8;
	[tilespmem:$0x1B700] =	vst v63  }
0x29: {  	_ =	swait.ge [sflag:s12], $0x2800  }
0x2a: {  	s18 =	smov.u32 s20;
	[sflag:s12] =	ssyncset.done $0x0  }
0x2b: {  	s17 =	sshra.s32 s17, $0x2;
	[sflag:s12] =	ssyncadd.s32 $0xFFFFD800  }
0x2c: {  	[tilespmem:s15], [sflag:$0x1] =	stream.indirect.gather [hbm4b:s4+s14], $0x80, s17, s14, $0xb8;
	[tilespmem:$0x1B700] =	vst v63  }
0x2d: {  	_ =	swait.ge [sflag:s12], $0x2800  }
0x2e: {  	[sflag:s12] =	ssyncset.done $0x0  }
0x2f: {  	s17 =	sadd.s32 $0x2780, s17;
	[sflag:s12] =	ssyncadd.s32 $0xFFFFD800  }
0x30: {  	[spmem:s2] =	stream.indirect.scatter.add.f32 [tilespmem:s15], [sflag:$0x1], $0x80, s17, s14, $0xb8;
	[tilespmem:$0x1B700] =	vst v63  }
0x31: {  	_ =	swait.ge [sflag:s12], $0x2800  }
0x32: {  	s16 =	sadd.s32 $0x1, s16;
	[sflag:s12] =	ssyncset.done $0x0  }
0x33: {  	p0 =	sne.s32 s16, s10;
	[sflag:s12] =	ssyncadd.s32 $0xFFFFD800  }
.Ltmp1:
0x34: {  	[bflag:$0x0] =	sbarrier.arrive $0xFFFF;
	(pc) =	sbr.rel @p0 .LBB2_1-.Ltmp1, $4  }
0x35: {  	[hbm:s9], [sflag:s6] =	dma.local [spmem:s11], $0x2800  }
0x36: {  	_ =	swait.ge [sflag:s12], $0x2800  }
0x37: {  	[sflag:s12] =	ssyncset.done $0x0  }
0x38: {  	[sflag:s12] =	ssyncadd.s32 $0xFFFFD800  }
0x39: {  	_ =	sfence.sel $0x180000  }
0x3a: {  	[bflag:$0x0] =	sbarrier.arrive $0xFFFF  }
0x3b: {  	p0 =	sne.s32 s0, $0x0;
	_ =	strace $0x9000004D  }
0x3c: {  	s0 =	sadd.s32 @!p0 $0x100000, s1;
	[bflag:$0x2] =	sbarrier.arrive $0xFFFF  }
0x3d: {  	[sflag:s0] =	ssyncadd.tile.s32 @!p0 $0x1;
	_ =	shalt  }
.Lfunc_end2:
_tile_overlayer_lowered:
.L_overlay_start_2:
0x3e: {  	(tag) =	ssettag $0x2  }
0x3f: {  	s0 =	rddreg [dreg:$0x0];
	s2 =	stileid.u32  }
0x40: {  	s1 =	rddreg [dreg:$0x1];
	p0 =	sne.s32 s2, $0x0  }
0x41: {  	s3 =	rddreg [dreg:$0x2];
	[bflag:$0x3] =	sbarrier.arrive $0xFFFF;
	s2 =	simm.s32 @!p0 $0x1C01  }
0x42: {  	[timem:s3], [sflag:s2] =	dma.local @!p0 [hbm:s0], s1  }
0x43: {  	s0 =	simm.s32 @!p0 $0x1  }
0x44: {  	_ =	swait.ge @!p0 [sflag:s0], s1  }
0x45: {  	s1 =	ssub.s32 @!p0 $0x0, s1;
	[sflag:s0] =	ssyncset.done @!p0 $0x0  }
0x46: {  	[sflag:s0] =	ssyncadd.s32 @!p0 s1  }
0x47: {  	[bflag:$0x3] =	sbarrier.arrive $0xFFFF  }
0x48: {  	_ =	shalt  }

// kernel: kernel.9.cloned.1.call-start
scs
__scs_entry_jumppad:
0x0: {  	(pc) =	sbr.rel $0x88, $3  }
0x1: {  	(tag) =	ssettag $0x0;
	lr =	simm.s32 $0x1  }
0x2: {  	[smem:$0x3F9B] =	sst lr;
	_ =	strace $0xD0000000  }
0x3: {  	_ = 	snop  }
0x4: {  	_ = 	snop  }
0x5: {  	_ = 	snop  }
0x6: {  	_ = 	snop  }
0x7: {  	_ = 	snop  }
__scs_overlays_trampoline_lowered:
0x8: {  	[smem:$0x3FAA] =	sst s0  }
0x9: {  	[smem:$0x3FAB] =	sst s1  }
0xa: {  	[smem:$0x3FAC] =	sst s2  }
0xb: {  	[smem:$0x3FAD] =	sst s3  }
0xc: {  	[smem:$0x3FAE] =	sst s4  }
0xd: {  	[smem:$0x3FAF] =	sst s5  }
0xe: {  	[smem:$0x3FB0] =	sst s6  }
0xf: {  	[smem:$0x3FB1] =	sst s7  }
0x10: {  	[smem:$0x3FB2] =	sst s8  }
0x11: {  	[smem:$0x3FB3] =	sst s9;
	s0 =	simm.s32 @!p0 $0x0  }
0x12: {  	s1 =	sld [smem:$0x3F99];
	s0 =	simm.s32 @p0 $0x1  }
0x13: {  	[smem:$0x3FB4] =	sst s0;
	s0 =	simm.s32 @!p1 $0x0  }
0x14: {  	s2 =	sld [smem:$0x3F98];
	s0 =	simm.s32 @p1 $0x1  }
0x15: {  	[smem:$0x3FB5] =	sst s0;
	s0 =	simm.s32 @!p2 $0x0  }
0x16: {  	s3 =	sld [smem:$0x3FDB];
	s0 =	simm.s32 @p2 $0x1  }
0x17: {  	s4 =	simm.s32 $0x1BF5;
	[smem:$0x3FB7] =	sst s0  }
0x18: {  	s0 =	sld [smem:$0x3F9A];
	_ =	swait.ge [sflag:s4], $0x0  }
0x19: {  	s7 =	sld [smem:$0x3F9B]  }
0x1a: {  	s8 =	sadd.s32 $0xFFFFE003, lr  }
0x1b: {  	s9 =	sadd.s32 $0xFFFFFEF7, lr;
	s5 =	simm.s32 $0xFFFFFFFF;
	p2 =	slt.u32 s8, $0xFFFFF086  }
0x1c: {  	p1 =	slt.u32 s9, $0xF7A;
	s5 =	simm.s32 @!p2 $0x0  }
0x1d: {  	s5 =	simm.s32 @p1 $0x1;
	p0 =	seq.s32 s7, s2  }
0x1e: {  	s7 =	smul.u32 @!p0 $0xF7A, s2;
	p2 =	seq.s32 @!p0 s5, $0x0  }
0x1f: {  	s9 =	smul.u32 $0xF7A, s1;
	s8 =	simm.s32 @!p0 $0x1BF5;
	p2 =	por !p2, p0  }
0x20: {  	[sflag:s8] =	ssyncset.s32 @!p0 $0xFFFFF086;
	s6 =	sadd.s32 @!p0 s3, s7;
	s7 =	simm.s32 @!p0 $0x108  }
0x21: {  	s3 =	sadd.s32 s3, s9;
	s6 =	sadd.s32 @!p0 $0x88, s6;
	s7 =	simm.s32 @p2 $0x1082  }
0x22: {  	[simem:s7], [sflag:s8] =	dma.local @!p0 [hbm:s6], $0xF7A  }
0x23: {  	s9 =	sor.u32 $0xD0000000, s2;
	s6 =	simm.s32 $0x108;
	_ =	swait.ge @!p0 [sflag:s8], $0x0  }
0x24: {  	s3 =	sadd.s32 $0x88, s3;
	s6 =	simm.s32 @!p1 $0x1082;
	[sflag:s4] =	ssyncset.s32 $0xFFFFF086  }
0x25: {  	[simem:s6], [sflag:s4] =	dma.local [hbm:s3], $0xF7A  }
0x26: {  	[smem:$0x3F9B] =	sst s1;
	(tag) =	ssettag s2;
	_ =	strace s9  }
0x27: {  	s1 =	sld [smem:$0x3FAB]  }
0x28: {  	s2 =	sld [smem:$0x3FAC]  }
0x29: {  	s4 =	sld [smem:$0x3FAE]  }
0x2a: {  	p0 =	seq.s32 s5, $0x0;
	s5 =	sld [smem:$0x3FAF]  }
0x2b: {  	s6 =	sld [smem:$0x3FB0]  }
0x2c: {  	s7 =	sld [smem:$0x3FB1]  }
0x2d: {  	s3 =	simm.s32 $0x108;
	s8 =	sld [smem:$0x3FB2]  }
0x2e: {  	s3 =	simm.s32 @!p0 $0x1082;
	s9 =	sld [smem:$0x3FB3]  }
0x2f: {  	lr =	sadd.s32 s0, s3;
	s0 =	sld [smem:$0x3FAA]  }
0x30: {  	s3 =	sld [smem:$0x3FAD]  }
0x31: {  	[smem:$0x3FB6] =	sst s10  }
0x32: {  	s10 =	sld [smem:$0x3FB4];
	_ =	sdelay $0x3  }
0x33: {  	p0 =	seq.s32 s10, $0x1;
	s10 =	sld [smem:$0x3FB6];
	_ =	sdelay $0x3  }
0x34: {  	[smem:$0x3FB6] =	sst s10  }
0x35: {  	s10 =	sld [smem:$0x3FB5];
	_ =	sdelay $0x3  }
0x36: {  	p1 =	seq.s32 s10, $0x1;
	s10 =	sld [smem:$0x3FB6];
	_ =	sdelay $0x3  }
0x37: {  	[smem:$0x3FB6] =	sst s10  }
0x38: {  	s10 =	sld [smem:$0x3FB7]  }
0x39: {  	_ = 	snop;
	(pc) =	sbr.ind lr, $3  }
0x3a: {  	_ = 	snop  }
0x3b: {  	_ = 	snop  }
0x3c: {  	p2 =	seq.s32 s10, $0x1;
	s10 =	sld [smem:$0x3FB6]  }
0x3d: {  	_ =	shalt  }
0x3e: {  	_ =	shalt  }
0x3f: {  	_ =	shalt  }
0x40: {  	_ =	shalt  }
0x41: {  	_ =	shalt  }
0x42: {  	_ =	shalt  }
0x43: {  	_ =	shalt  }
0x44: {  	_ =	shalt  }
0x45: {  	_ =	shalt  }
0x46: {  	_ =	shalt  }
0x47: {  	_ =	shalt  }
0x48: {  	_ =	shalt  }
0x49: {  	_ =	shalt  }
0x4a: {  	_ =	shalt  }
0x4b: {  	_ =	shalt  }
0x4c: {  	_ =	shalt  }
0x4d: {  	_ =	shalt  }
0x4e: {  	_ =	shalt  }
0x4f: {  	_ =	shalt  }
0x50: {  	_ =	shalt  }
0x51: {  	_ =	shalt  }
0x52: {  	_ =	shalt  }
0x53: {  	_ =	shalt  }
0x54: {  	_ =	shalt  }
0x55: {  	_ =	shalt  }
0x56: {  	_ =	shalt  }
0x57: {  	_ =	shalt  }
0x58: {  	_ =	shalt  }
0x59: {  	_ =	shalt  }
0x5a: {  	_ =	shalt  }
0x5b: {  	_ =	shalt  }
0x5c: {  	_ =	shalt  }
0x5d: {  	_ =	shalt  }
0x5e: {  	_ =	shalt  }
0x5f: {  	_ =	shalt  }
0x60: {  	_ =	shalt  }
0x61: {  	_ =	shalt  }
0x62: {  	_ =	shalt  }
0x63: {  	_ =	shalt  }
0x64: {  	_ =	shalt  }
0x65: {  	_ =	shalt  }
0x66: {  	_ =	shalt  }
0x67: {  	_ =	shalt  }
0x68: {  	_ =	shalt  }
0x69: {  	_ =	shalt  }
0x6a: {  	_ =	shalt  }
0x6b: {  	_ =	shalt  }
0x6c: {  	_ =	shalt  }
0x6d: {  	_ =	shalt  }
0x6e: {  	_ =	shalt  }
0x6f: {  	_ =	shalt  }
0x70: {  	_ =	shalt  }
0x71: {  	_ =	shalt  }
0x72: {  	_ =	shalt  }
0x73: {  	_ =	shalt  }
0x74: {  	_ =	shalt  }
0x75: {  	_ =	shalt  }
0x76: {  	_ =	shalt  }
0x77: {  	_ =	shalt  }
0x78: {  	_ =	shalt  }
0x79: {  	_ =	shalt  }
0x7a: {  	_ =	shalt  }
0x7b: {  	_ =	shalt  }
0x7c: {  	_ =	shalt  }
0x7d: {  	_ =	shalt  }
0x7e: {  	_ =	shalt  }
0x7f: {  	_ =	shalt  }
0x80: {  	_ =	shalt  }
0x81: {  	_ =	shalt  }
0x82: {  	_ =	shalt  }
0x83: {  	_ =	shalt  }
0x84: {  	_ =	shalt  }
0x85: {  	_ =	shalt  }
0x86: {  	_ =	shalt  }
0x87: {  	_ =	shalt  }
.Lfunc_end0:
.L_simem_size_0:
called_computation_lowered:
.L_overlay_start_0:
0x88: {  	s2 =	sld [smem:$0x3FD9]  }
0x89: {  	s3 =	sld [smem:$0x3FFE];
	_ =	sdelay $0x1  }
0x8a: {  	s1 =	srdreg.scid  }
0x8b: {  	s0 =	sand.u32 $0x1, s1  }
0x8c: {  	s17 =	sshll.u32 s0, $0xA;
	s2 =	sadd.s32 s3, s2  }
0x8d: {  	s2 =	sadd.s32 s2, s17  }
0x8e: {  	[smem:$0x3FC2] =	sst s2  }
0x8f: {  	_ = 	snop  }
0x90: {  	s2 =	sld [smem:$0x3FD0];
	(tm) =	ssettm $0x1  }
0x91: {  	s18 =	sld [smem:$0x3FFB];
	_ =	sdelay $0x3  }
0x92: {  	_ =	strace s18  }
0x93: {  	s3 =	sld [smem:$0x3FFC];
	_ =	sdelay $0x3  }
0x94: {  	_ =	strace s3  }
0x95: {  	s3 =	sld [smem:$0x3FFD];
	_ =	sdelay $0x3  }
0x96: {  	_ =	strace s3  }
0x97: {  	_ =	strace $0x8FFFFFFF  }
0x98: {  	s19 =	sld [smem:$0x3FDB];
	_ =	sdelay $0x1  }
0x99: {  	s4 =	simm.s32 $_scs_section_size  }
0x9a: {  	s5 =	simm.s32 $_size__tile_overlayer_lowered;
	s6 =	simm.s32 $_tile_overlayer_lowered  }
0x9b: {  	s22 =	simm.s32 $0x1BFF;
	s21 =	sshll.u32 s6, $0x1;
	s3 =	sadd.s32 s4, s19  }
0x9c: {  	s7 =	simm.s32 $0x0;
	s20 =	sshll.u32 s5, $0x1;
	s5 =	sadd.s32 s21, s3  }
0x9d: {  	[timem:s7], [sflag:s22] =	dma.local [hbm:s5], s20  }
0x9e: {  	_ =	swait.ge [sflag:s22], s20  }
0x9f: {  	s4 =	ssub.s32 $0x0, s20;
	[sflag:s22] =	ssyncset.done $0x0  }
0xa0: {  	[sflag:s22] =	ssyncadd.s32 s4;
	_ =	sdelay $0x1  }
0xa1: {  	s23 =	simm.s32 $0x1B8B  }
0xa2: {  	_ =	swait.ge [sflag:s23], $0x1  }
0xa3: {  	[sflag:s23] =	ssyncset.done $0x0  }
0xa4: {  	s25 =	simm.s32 $0x1B8E;
	s24 =	sld [smem:$0x3FFE];
	[sflag:s23] =	ssyncadd.s32 $0xFFFFFFFF  }
0xa5: {  	s26 =	simm.s32 $execute0_lowered;
	[smem:$0x3FD2] =	sst s25  }
0xa6: {  	s5 =	sshll.u32 s26, $0x1;
	_ =	strace $0x80000046;
	[dreg:$0x1] =	wrdreg $0xFFFFFFFF  }
0xa7: {  	s28 =	simm.s32 $_size_execute0_lowered;
	s3 =	sadd.s32 s3, s5;
	[dreg:$0x0] =	wrdreg $0x0  }
0xa8: {  	s5 =	sshll.u32 s28, $0x1;
	[dreg:$0x2] =	wrdreg s3  }
0xa9: {  	[dreg:$0x3] =	wrdreg s5  }
0xaa: {  	[dreg:$0x4] =	wrdreg $0xC0  }
0xab: {  	_ =	task [dreg:s7], $0x5FFFF  }
0xac: {  	[dreg:$0x1] =	wrdreg $0xFFFFFFFF  }
0xad: {  	[dreg:$0x0] =	wrdreg $0x60  }
0xae: {  	[dreg:$0x2] =	wrdreg s2  }
0xaf: {  	[dreg:$0x3] =	wrdreg s24  }
0xb0: {  	[dreg:$0x4] =	wrdreg $0x68000  }
0xb1: {  	[dreg:$0x5] =	wrdreg $0x9  }
0xb2: {  	_ =	task.clear_ibuf [dreg:s7], $0x6FFFF;
	_ =	strace $0x90000046  }
0xb3: {  	s29 =	simm.s32 $0x9;
	_ =	strace $0x80000048  }
0xb4: {  	_ =	swait.ge [sflag:s29], $0x1  }
0xb5: {  	[sflag:s29] =	ssyncadd.s32 $0xFFFFFFFF  }
0xb6: {  	_ =	strace $0x90000048  }
0xb7: {  	_ =	sfence  }
0xb8: {  	s30 =	sld [smem:$0x0];
	_ =	sdelay $0x2  }
0xb9: {  	s31 =	sshll.u32 s1, $0xD;
	s1 =	sshrl.u32 s1, $0x2  }
0xba: {  	s3 =	sand.u32 $0x4000, s31;
	s1 =	sadd.s32 s1, s30  }
0xbb: {  	s0 =	sor.u32 s3, s0;
	s1 =	sshll.u32 s1, $0x11  }
0xbc: {  	s0 =	sor.u32 s1, s0  }
0xbd: {  	s0 =	sadd.s32 $0x8F2B, s0  }
0xbe: {  	[sflag:s0] =	ssyncadd.remote.s32 $0x1  }
0xbf: {  	_ =	sfence.sel $0xFFFF  }
0xc0: {  	[dreg:$0x0] =	wrdreg $0xFFFFFFFF;
	(pc) =	sbr.abs _section_cstart, $3  }
0xc1: {  	[dreg:$0x1] =	wrdreg $0xFFFFFFFF  }
0xc2: {  	_ =	task.clear_ibuf [dreg:s7], $0x2FFFF;
	_ =	strace $0x9FFFFFFF  }
0xc3: {  	(tm) =	ssettm $0x7FFFFFFF  }
tec
execute0_lowered:
.L_overlay_start_1:
0x0: {  	(tag) =	ssettag $0x1  }
0x1: {  	s7 =	rddreg [dreg:$0x0]  }
0x2: {  	s6 =	rddreg [dreg:$0x1]  }
0x3: {  	s1 =	rddreg [dreg:$0x2]  }
0x4: {  	s2 =	srdreg.scid;
	s0 =	rddreg [dreg:$0x3];
	s3 =	simm.s32 $0x0  }
0x5: {  	s12 =	simm.s32 $0x2800;
	s13 =	simm.s32 $0x80;
	s8 =	sand.u32 $0x1, s2  }
0x6: {  	s14 =	simm.s32 $0x0;
	s2 =	stileid.u32;
	s9 =	smul.u32 $0x140000, s8  }
0x7: {  	[smem:$0x7FF] =	sst s3;
	s4 =	sadd.s32 $0x16600, s6;
	s10 =	smul.u32 $0x14000, s2  }
0x8: {  	s5 =	sadd.s32 $0x16E00, s6;
	_ =	strace $0x80000047;
	s26 =	smul.u32 $0x50000, s2  }
0x9: {  	s11 =	sshll.u32 s8, $0x4;
	s28 =	ssub.s32 $0x2, s8;
	s31 =	sshll.u32 s2, $0x6  }
0xa: {  	s29 =	sor.u32 s2, s11;
	s30 =	sshrl.u32 s28, $0x1;
	s9 =	sadd.s32 s10, s9  }
0xb: {  	s10 =	sshrl.u32 s26, $0x2;
	s8 =	smul.u32 $0x500, s29;
	s9 =	sshrl.u32 s9, $0x3  }
0xc: {  	s11 =	ssub.s32 s28, s30;
	s10 =	sadd.s32 s10, s1;
	s9 =	sadd.s32 s9, s6  }
0xd: {  	s6 =	sor.u32 $0x1C01, s31;
	s7 =	sadd.s32 s7, s8;
	s10 =	sshrl.u32 s10, $0x3  }
0xe: {  	s8 =	sadd.s32 $0x19600, s9;
	s9 =	smax.u32 s11, $0x1;
	s11 =	simm.s32 $0x1  }
.LBB2_1:
0xf: {  	[spmem:s10], [sflag:s6] =	dma.local [hbm:s5], $0x2800  }
0x10: {  	_ =	swait.ge [sflag:s11], $0x2800  }
0x11: {  	[sflag:s11] =	ssyncset.done $0x0  }
0x12: {  	[sflag:s11] =	ssyncadd.s32 $0xFFFFD800  }
0x13: {  	[tilespmem:s12], [sflag:$0x1] =	stream.linear.gather [hbm4b:s4+s3], $0x4000, $0x38;
	[tilespmem:$0x1A800] =	vst v63  }
0x14: {  	_ =	swait.ge [sflag:s11], $0x4000  }
0x15: {  	[sflag:s11] =	ssyncset.done $0x0  }
0x16: {  	[sflag:s11] =	ssyncadd.s32 $0xFFFFC000  }
0x17: {  	[tilespmem:s3], [sflag:$0x1] =	stream.linear.gather [hbm4b:s7+s3], $0x2800, $0x38;
	[tilespmem:$0x1A800] =	vst v63  }
0x18: {  	_ =	swait.ge [sflag:s11], $0x2800  }
0x19: {  	[sflag:s11] =	ssyncset.done $0x0  }
0x1a: {  	[sflag:s11] =	ssyncadd.s32 $0xFFFFD800  }
0x1b: {  	s15 =	simm.s32 $0x0;
	[bflag:$0x0] =	sbarrier.arrive $0xFFFF  }
0x1c: {  	[spmem:s1] =	stream.indirect.scatter.add.f32 [tilespmem:s12], [sflag:$0x1], $0x80, s15, s13, $0xb8;
	[tilespmem:$0x1A800] =	vst v63  }
0x1d: {  	_ =	swait.ge [sflag:s11], $0x4000  }
0x1e: {  	s15 =	simm.s32 $0x200;
	[sflag:s11] =	ssyncset.done $0x0  }
.LBB2_2:
0x1f: {  	s16 =	sshra.s32 s15, $0x2;
	[sflag:s11] =	ssyncadd.s32 $0xFFFFC000;
	p0 =	sne.s32 s15, $0x9E00  }
0x20: {  	[spmem:s1] =	stream.indirect.scatter.add.f32 [tilespmem:s12], [sflag:$0x1], $0x80, s16, s13, $0xb8;
	[tilespmem:$0x1A800] =	vst v63  }
.Ltmp0:
0x21: {  	_ = 	snop;
	(pc) =	sbr.rel @p0 .LBB2_2-.Ltmp0, $4  }
0x22: {  	_ = 	snop  }
0x23: {  	s15 =	sadd.s32 $0x200, s15  }
0x24: {  	_ =	swait.ge [sflag:s11], $0x4000  }
0x25: {  	[sflag:s11] =	ssyncset.done $0x0  }
0x26: {  	s14 =	sadd.s32 $0x1, s14  }
0x27: {  	[sflag:s11] =	ssyncadd.s32 $0xFFFFC000;
	p0 =	sne.s32 s14, s9  }
.Ltmp1:
0x28: {  	[bflag:$0x0] =	sbarrier.arrive $0xFFFF;
	(pc) =	sbr.rel @p0 .LBB2_1-.Ltmp1, $4  }
0x29: {  	[hbm:s8], [sflag:s6] =	dma.local [spmem:s10], $0x2800  }
0x2a: {  	_ =	swait.ge [sflag:s11], $0x2800  }
0x2b: {  	[sflag:s11] =	ssyncset.done $0x0  }
0x2c: {  	[sflag:s11] =	ssyncadd.s32 $0xFFFFD800  }
0x2d: {  	_ =	sfence.sel $0x180000  }
0x2e: {  	[bflag:$0x0] =	sbarrier.arrive $0xFFFF  }
0x2f: {  	p0 =	sne.s32 s2, $0x0;
	_ =	strace $0x90000047  }
0x30: {  	s0 =	sadd.s32 @!p0 $0x100000, s0;
	[bflag:$0x2] =	sbarrier.arrive $0xFFFF  }
0x31: {  	[sflag:s0] =	ssyncadd.tile.s32 @!p0 $0x1;
	_ =	shalt  }
.Lfunc_end2:
_tile_overlayer_lowered:
.L_overlay_start_2:
0x32: {  	(tag) =	ssettag $0x2  }
0x33: {  	s0 =	rddreg [dreg:$0x0];
	s2 =	stileid.u32  }
0x34: {  	s1 =	rddreg [dreg:$0x1];
	p0 =	sne.s32 s2, $0x0  }
0x35: {  	s3 =	rddreg [dreg:$0x2];
	[bflag:$0x3] =	sbarrier.arrive $0xFFFF;
	s2 =	simm.s32 @!p0 $0x1C01  }
0x36: {  	[timem:s3], [sflag:s2] =	dma.local @!p0 [hbm:s0], s1  }
0x37: {  	s0 =	simm.s32 @!p0 $0x1  }
0x38: {  	_ =	swait.ge @!p0 [sflag:s0], s1  }
0x39: {  	s1 =	ssub.s32 @!p0 $0x0, s1;
	[sflag:s0] =	ssyncset.done @!p0 $0x0  }
0x3a: {  	[sflag:s0] =	ssyncadd.s32 @!p0 s1  }
0x3b: {  	[bflag:$0x3] =	sbarrier.arrive $0xFFFF  }
0x3c: {  	_ =	shalt  }

</sc_bundles>
